<compile_context>
chip_gen: v7x
topology: tpu7x:2x2x1
jax: 0.10.2.dev20260603
libtpu: 0.0.44.dev20260713+nightly
codegen_flags: <defaults>
</compile_context>

<pallas_src>
import jax
import jax.numpy as jnp
from jax import lax
from jax.experimental import pallas as pl
from jax.experimental.pallas import tpu as pltpu
from jax.experimental.pallas import tpu_sc as plsc

DIM = 128
CHUNK = 128
NW = 32
BATCH = 4096
FIELDS = 26
TOTAL = BATCH * FIELDS
PER_W = TOTAL // NW
NCHUNK = PER_W // CHUNK


NBUF = 4


def _emb_body(table_hbm, idx_hbm, out_hbm, idx_v,
              buf0, buf1, buf2, buf3,
              sg0, sg1, sg2, sg3, so0, so1, so2, so3):
    wid = lax.axis_index("s") * 2 + lax.axis_index("c")
    base = wid * PER_W
    pltpu.sync_copy(idx_hbm.at[wid], idx_v)
    bufs = (buf0, buf1, buf2, buf3)
    sg = (sg0, sg1, sg2, sg3)
    so = (so0, so1, so2, so3)

    def gather(c):
        b = c % NBUF
        return pltpu.make_async_copy(table_hbm.at[idx_v.at[c]], bufs[b], sg[b])

    def out_copy(c):
        b = c % NBUF
        return pltpu.make_async_copy(
            bufs[b], out_hbm.at[pl.ds(base + c * CHUNK, CHUNK)], so[b])

    for c in range(NBUF - 1):
        gather(c).start()
    for c in range(NCHUNK):
        if c >= 1:
            out_copy(c - 1).wait()
        if c + NBUF - 1 < NCHUNK:
            gather(c + NBUF - 1).start()
        gather(c).wait()
        out_copy(c).start()
    out_copy(NCHUNK - 1).wait()


def kernel(x, table):
    b, f = x.shape
    flat = x.T.reshape(-1).astype(jnp.int32)
    idx3 = flat.reshape(NW, NCHUNK, CHUNK)
    mesh = plsc.VectorSubcoreMesh(core_axis_name="c", subcore_axis_name="s")
    k = pl.kernel(
        _emb_body,
        mesh=mesh,
        out_type=jax.ShapeDtypeStruct((TOTAL, DIM), jnp.float32),
        scratch_types=(
            [pltpu.VMEM((NCHUNK, CHUNK), jnp.int32)]
            + [pltpu.VMEM((CHUNK, DIM), jnp.float32)] * NBUF
            + [pltpu.SemaphoreType.DMA] * (2 * NBUF)
        ),
    )
    out = k(table, idx3)
    return out.reshape(f, b, DIM).transpose(1, 0, 2)

# --- scband reference (transcript-rebuilt; emitter-appended) ---
"""Pipeline reference for scband-embedding-model-71932112273502 (READ-ONLY COPY).

The authoritative reference and input builder live on the scoring server;
editing this copy changes nothing except your own understanding.
"""

import jax, jax.numpy as jnp
import numpy as np

NUM_EMBEDDINGS = 100000
EMBEDDING_DIM = 128
BATCH = 4096
FIELDS = 26


def setup_inputs(seed: int = 0) -> dict:
    key = jax.random.key(seed)
    k_idx, k_tab = jax.random.split(key)
    x = jax.random.randint(k_idx, (BATCH, FIELDS), 0, NUM_EMBEDDINGS, dtype=jnp.int64 if jax.config.jax_enable_x64 else jnp.int32)
    # flax nnx.Embed default initializer is variance-scaling-like normal; use scaled normal
    table = jax.random.normal(k_tab, (NUM_EMBEDDINGS, EMBEDDING_DIM), dtype=jnp.float32) * 0.02
    return {"x": x, "table": table}


def reference(x, table):
    # nnx.Embed.__call__: embedding lookup -> table[x]
    return jnp.take(table, x, axis=0)

if __name__ == "__main__":
    import jax
    _d = setup_inputs()
    print(jax.jit(kernel)(*tuple(_d.values())))

</pallas_src>

<mosaic_0001>
#map = affine_map<(d0, d1) -> (0, 0)>
#map1 = affine_map<(d0, d1) -> (0, 0, 0)>
module attributes {stable_mosaic.version = 14 : i64} {
  func.func @_emb_body(%arg0: i32, %arg1: i32, %arg2: memref<100000x128xf32, #tpu.memory_space<hbm>>, %arg3: memref<32x26x128xi32, #tpu.memory_space<hbm>>, %arg4: memref<106496x128xf32, #tpu.memory_space<hbm>>, %arg5: memref<26x128xi32, #tpu.memory_space<vmem>>, %arg6: memref<128x128xf32, #tpu.memory_space<vmem>>, %arg7: memref<128x128xf32, #tpu.memory_space<vmem>>, %arg8: memref<128x128xf32, #tpu.memory_space<vmem>>, %arg9: memref<128x128xf32, #tpu.memory_space<vmem>>, %arg10: memref<!tpu.dma_semaphore, #tpu.memory_space<semaphore_mem>>, %arg11: memref<!tpu.dma_semaphore, #tpu.memory_space<semaphore_mem>>, %arg12: memref<!tpu.dma_semaphore, #tpu.memory_space<semaphore_mem>>, %arg13: memref<!tpu.dma_semaphore, #tpu.memory_space<semaphore_mem>>, %arg14: memref<!tpu.dma_semaphore, #tpu.memory_space<semaphore_mem>>, %arg15: memref<!tpu.dma_semaphore, #tpu.memory_space<semaphore_mem>>, %arg16: memref<!tpu.dma_semaphore, #tpu.memory_space<semaphore_mem>>, %arg17: memref<!tpu.dma_semaphore, #tpu.memory_space<semaphore_mem>>) attributes {dimension_semantics = [#tpu.dimension_semantics<core_parallel>, #tpu.dimension_semantics<subcore_parallel>], iteration_bounds = array<i64: 2, 16>, scalar_prefetch = 0 : i64, scratch_operands = 13 : i64, tpu.core_type = #tpu.core_type<sc_vector_subcore>, window_params = [{transform_indices = #map}, {transform_indices = #map1}, {transform_indices = #map}]} {
    %mul3A = arith.constant 2 : i32
    %mul3A_0 = arith.muli %arg1, %mul3A : i32
    %add3A = arith.addi %mul3A_0, %arg0 : i32
    %mul3A_1 = arith.constant 3328 : i32
    %mul3A_2 = arith.muli %add3A, %mul3A_1 : i32
    "tpu.region"() ({
      %run_scoped3A = tpu.sem_alloc : memref<!tpu.dma_semaphore, #tpu.memory_space<semaphore_mem>>
      %dma_start3A_677 = arith.constant 0 : i32
      %dma_start3A_678 = arith.constant 0 : i32
      %dma_start3A_679 = tpu.memref_slice %arg3[%add3A, %dma_start3A_677, %dma_start3A_678] : memref<32x26x128xi32, #tpu.memory_space<hbm>> -> memref<1x26x128xi32, #tpu.memory_space<hbm>>
      %dma_start3A_680 = tpu.memref_squeeze %dma_start3A_679 : memref<1x26x128xi32, #tpu.memory_space<hbm>> -> memref<26x128xi32, #tpu.memory_space<hbm>>
      %dma_start3A_681 = arith.constant 0 : i32
      %dma_start3A_682 = arith.constant 0 : i32
      %dma_start3A_683 = tpu.memref_slice %arg3[%add3A, %dma_start3A_681, %dma_start3A_682] : memref<32x26x128xi32, #tpu.memory_space<hbm>> -> memref<1x26x128xi32, #tpu.memory_space<hbm>>
      %dma_start3A_684 = tpu.memref_squeeze %dma_start3A_683 : memref<1x26x128xi32, #tpu.memory_space<hbm>> -> memref<26x128xi32, #tpu.memory_space<hbm>>
      tpu.enqueue_dma source(%dma_start3A_684 : memref<26x128xi32, #tpu.memory_space<hbm>>) target(%arg5 : memref<26x128xi32, #tpu.memory_space<vmem>>) target_semaphore(%run_scoped3A : memref<!tpu.dma_semaphore, #tpu.memory_space<semaphore_mem>>)
      %dma_wait3A_685 = arith.constant 0 : i32
      %dma_wait3A_686 = arith.constant 0 : i32
      %dma_wait3A_687 = tpu.memref_slice %arg3[%add3A, %dma_wait3A_685, %dma_wait3A_686] : memref<32x26x128xi32, #tpu.memory_space<hbm>> -> memref<1x26x128xi32, #tpu.memory_space<hbm>>
      %dma_wait3A_688 = tpu.memref_squeeze %dma_wait3A_687 : memref<1x26x128xi32, #tpu.memory_space<hbm>> -> memref<26x128xi32, #tpu.memory_space<hbm>>
      %dma_wait3A_689 = arith.constant 0 : i32
      %dma_wait3A_690 = arith.constant 0 : i32
      %dma_wait3A_691 = tpu.memref_slice %arg3[%add3A, %dma_wait3A_689, %dma_wait3A_690] : memref<32x26x128xi32, #tpu.memory_space<hbm>> -> memref<1x26x128xi32, #tpu.memory_space<hbm>>
      %dma_wait3A_692 = tpu.memref_squeeze %dma_wait3A_691 : memref<1x26x128xi32, #tpu.memory_space<hbm>> -> memref<26x128xi32, #tpu.memory_space<hbm>>
      tpu.wait_dma2 semaphore(%run_scoped3A : memref<!tpu.dma_semaphore, #tpu.memory_space<semaphore_mem>>) src(%dma_wait3A_692 : memref<26x128xi32, #tpu.memory_space<hbm>>) dst(%arg5 : memref<26x128xi32, #tpu.memory_space<vmem>>)
      tpu.yield
    }) : () -> ()
    %dma_start3A = arith.constant 0 : i32
    %dma_start3A_3 = arith.constant 0 : i32
    %dma_start3A_4 = tpu.memref_slice %arg5[%dma_start3A, %dma_start3A_3] : memref<26x128xi32, #tpu.memory_space<vmem>> -> memref<1x128xi32, #tpu.memory_space<vmem>>
    %dma_start3A_5 = tpu.memref_squeeze %dma_start3A_4 : memref<1x128xi32, #tpu.memory_space<vmem>> -> memref<128xi32, #tpu.memory_space<vmem>>
    %dma_start3A_6 = arith.constant 0 : i32
    %dma_start3A_7 = arith.constant 0 : i32
    %dma_start3A_8 = tpu.memref_slice %arg2[%dma_start3A_6, %dma_start3A_7] : memref<100000x128xf32, #tpu.memory_space<hbm>> -> memref<100000x128xf32, #tpu.memory_space<hbm>>
    tpu.enqueue_indirect_dma source(%dma_start3A_8 : memref<100000x128xf32, #tpu.memory_space<hbm>>) target(%arg6 : memref<128x128xf32, #tpu.memory_space<vmem>>) offsets(%dma_start3A_5 : memref<128xi32, #tpu.memory_space<vmem>>) semaphore(%arg10 : memref<!tpu.dma_semaphore, #tpu.memory_space<semaphore_mem>>)
    %dma_start3A_9 = arith.constant 1 : i32
    %dma_start3A_10 = arith.constant 0 : i32
    %dma_start3A_11 = tpu.memref_slice %arg5[%dma_start3A_9, %dma_start3A_10] : memref<26x128xi32, #tpu.memory_space<vmem>> -> memref<1x128xi32, #tpu.memory_space<vmem>>
    %dma_start3A_12 = tpu.memref_squeeze %dma_start3A_11 : memref<1x128xi32, #tpu.memory_space<vmem>> -> memref<128xi32, #tpu.memory_space<vmem>>
    %dma_start3A_13 = arith.constant 0 : i32
    %dma_start3A_14 = arith.constant 0 : i32
    %dma_start3A_15 = tpu.memref_slice %arg2[%dma_start3A_13, %dma_start3A_14] : memref<100000x128xf32, #tpu.memory_space<hbm>> -> memref<100000x128xf32, #tpu.memory_space<hbm>>
    tpu.enqueue_indirect_dma source(%dma_start3A_15 : memref<100000x128xf32, #tpu.memory_space<hbm>>) target(%arg7 : memref<128x128xf32, #tpu.memory_space<vmem>>) offsets(%dma_start3A_12 : memref<128xi32, #tpu.memory_space<vmem>>) semaphore(%arg11 : memref<!tpu.dma_semaphore, #tpu.memory_space<semaphore_mem>>)
    %dma_start3A_16 = arith.constant 2 : i32
    %dma_start3A_17 = arith.constant 0 : i32
    %dma_start3A_18 = tpu.memref_slice %arg5[%dma_start3A_16, %dma_start3A_17] : memref<26x128xi32, #tpu.memory_space<vmem>> -> memref<1x128xi32, #tpu.memory_space<vmem>>
    %dma_start3A_19 = tpu.memref_squeeze %dma_start3A_18 : memref<1x128xi32, #tpu.memory_space<vmem>> -> memref<128xi32, #tpu.memory_space<vmem>>
    %dma_start3A_20 = arith.constant 0 : i32
    %dma_start3A_21 = arith.constant 0 : i32
    %dma_start3A_22 = tpu.memref_slice %arg2[%dma_start3A_20, %dma_start3A_21] : memref<100000x128xf32, #tpu.memory_space<hbm>> -> memref<100000x128xf32, #tpu.memory_space<hbm>>
    tpu.enqueue_indirect_dma source(%dma_start3A_22 : memref<100000x128xf32, #tpu.memory_space<hbm>>) target(%arg8 : memref<128x128xf32, #tpu.memory_space<vmem>>) offsets(%dma_start3A_19 : memref<128xi32, #tpu.memory_space<vmem>>) semaphore(%arg12 : memref<!tpu.dma_semaphore, #tpu.memory_space<semaphore_mem>>)
    %dma_start3A_23 = arith.constant 3 : i32
    %dma_start3A_24 = arith.constant 0 : i32
    %dma_start3A_25 = tpu.memref_slice %arg5[%dma_start3A_23, %dma_start3A_24] : memref<26x128xi32, #tpu.memory_space<vmem>> -> memref<1x128xi32, #tpu.memory_space<vmem>>
    %dma_start3A_26 = tpu.memref_squeeze %dma_start3A_25 : memref<1x128xi32, #tpu.memory_space<vmem>> -> memref<128xi32, #tpu.memory_space<vmem>>
    %dma_start3A_27 = arith.constant 0 : i32
    %dma_start3A_28 = arith.constant 0 : i32
    %dma_start3A_29 = tpu.memref_slice %arg2[%dma_start3A_27, %dma_start3A_28] : memref<100000x128xf32, #tpu.memory_space<hbm>> -> memref<100000x128xf32, #tpu.memory_space<hbm>>
    tpu.enqueue_indirect_dma source(%dma_start3A_29 : memref<100000x128xf32, #tpu.memory_space<hbm>>) target(%arg9 : memref<128x128xf32, #tpu.memory_space<vmem>>) offsets(%dma_start3A_26 : memref<128xi32, #tpu.memory_space<vmem>>) semaphore(%arg13 : memref<!tpu.dma_semaphore, #tpu.memory_space<semaphore_mem>>)
    %dma_wait3A = arith.constant 0 : i32
    %dma_wait3A_30 = arith.constant 0 : i32
    %dma_wait3A_31 = tpu.memref_slice %arg5[%dma_wait3A, %dma_wait3A_30] : memref<26x128xi32, #tpu.memory_space<vmem>> -> memref<1x128xi32, #tpu.memory_space<vmem>>
    %dma_wait3A_32 = tpu.memref_squeeze %dma_wait3A_31 : memref<1x128xi32, #tpu.memory_space<vmem>> -> memref<128xi32, #tpu.memory_space<vmem>>
    %dma_wait3A_33 = arith.constant 0 : i32
    %dma_wait3A_34 = arith.constant 0 : i32
    %dma_wait3A_35 = tpu.memref_slice %arg2[%dma_wait3A_33, %dma_wait3A_34] : memref<100000x128xf32, #tpu.memory_space<hbm>> -> memref<100000x128xf32, #tpu.memory_space<hbm>>
    tpu.wait_indirect_dma semaphore(%arg10 : memref<!tpu.dma_semaphore, #tpu.memory_space<semaphore_mem>>) src(%dma_wait3A_35 : memref<100000x128xf32, #tpu.memory_space<hbm>>) dst(%arg6 : memref<128x128xf32, #tpu.memory_space<vmem>>)
    %add3A_36 = arith.constant 0 : i32
    %add3A_37 = arith.addi %mul3A_2, %add3A_36 : i32
    %dma_start3A_38 = arith.constant 0 : i32
    %dma_start3A_39 = tpu.memref_slice %arg4[%add3A_37, %dma_start3A_38] : memref<106496x128xf32, #tpu.memory_space<hbm>> -> memref<128x128xf32, #tpu.memory_space<hbm>>
    %dma_start3A_40 = arith.constant 0 : i32
    %dma_start3A_41 = tpu.memref_slice %arg4[%add3A_37, %dma_start3A_40] : memref<106496x128xf32, #tpu.memory_space<hbm>> -> memref<128x128xf32, #tpu.memory_space<hbm>>
    tpu.enqueue_dma source(%arg6 : memref<128x128xf32, #tpu.memory_space<vmem>>) target(%dma_start3A_41 : memref<128x128xf32, #tpu.memory_space<hbm>>) target_semaphore(%arg14 : memref<!tpu.dma_semaphore, #tpu.memory_space<semaphore_mem>>)
    %add3A_42 = arith.constant 0 : i32
    %add3A_43 = arith.addi %mul3A_2, %add3A_42 : i32
    %dma_wait3A_44 = arith.constant 0 : i32
    %dma_wait3A_45 = tpu.memref_slice %arg4[%add3A_43, %dma_wait3A_44] : memref<106496x128xf32, #tpu.memory_space<hbm>> -> memref<128x128xf32, #tpu.memory_space<hbm>>
    %dma_wait3A_46 = arith.constant 0 : i32
    %dma_wait3A_47 = tpu.memref_slice %arg4[%add3A_43, %dma_wait3A_46] : memref<106496x128xf32, #tpu.memory_space<hbm>> -> memref<128x128xf32, #tpu.memory_space<hbm>>
    tpu.wait_dma2 semaphore(%arg14 : memref<!tpu.dma_semaphore, #tpu.memory_space<semaphore_mem>>) src(%arg6 : memref<128x128xf32, #tpu.memory_space<vmem>>) dst(%dma_wait3A_47 : memref<128x128xf32, #tpu.memory_space<hbm>>)
    %dma_start3A_48 = arith.constant 4 : i32
    %dma_start3A_49 = arith.constant 0 : i32
    %dma_start3A_50 = tpu.memref_slice %arg5[%dma_start3A_48, %dma_start3A_49] : memref<26x128xi32, #tpu.memory_space<vmem>> -> memref<1x128xi32, #tpu.memory_space<vmem>>
    %dma_start3A_51 = tpu.memref_squeeze %dma_start3A_50 : memref<1x128xi32, #tpu.memory_space<vmem>> -> memref<128xi32, #tpu.memory_space<vmem>>
    %dma_start3A_52 = arith.constant 0 : i32
    %dma_start3A_53 = arith.constant 0 : i32
    %dma_start3A_54 = tpu.memref_slice %arg2[%dma_start3A_52, %dma_start3A_53] : memref<100000x128xf32, #tpu.memory_space<hbm>> -> memref<100000x128xf32, #tpu.memory_space<hbm>>
    tpu.enqueue_indirect_dma source(%dma_start3A_54 : memref<100000x128xf32, #tpu.memory_space<hbm>>) target(%arg6 : memref<128x128xf32, #tpu.memory_space<vmem>>) offsets(%dma_start3A_51 : memref<128xi32, #tpu.memory_space<vmem>>) semaphore(%arg10 : memref<!tpu.dma_semaphore, #tpu.memory_space<semaphore_mem>>)
    %dma_wait3A_55 = arith.constant 1 : i32
    %dma_wait3A_56 = arith.constant 0 : i32
    %dma_wait3A_57 = tpu.memref_slice %arg5[%dma_wait3A_55, %dma_wait3A_56] : memref<26x128xi32, #tpu.memory_space<vmem>> -> memref<1x128xi32, #tpu.memory_space<vmem>>
    %dma_wait3A_58 = tpu.memref_squeeze %dma_wait3A_57 : memref<1x128xi32, #tpu.memory_space<vmem>> -> memref<128xi32, #tpu.memory_space<vmem>>
    %dma_wait3A_59 = arith.constant 0 : i32
    %dma_wait3A_60 = arith.constant 0 : i32
    %dma_wait3A_61 = tpu.memref_slice %arg2[%dma_wait3A_59, %dma_wait3A_60] : memref<100000x128xf32, #tpu.memory_space<hbm>> -> memref<100000x128xf32, #tpu.memory_space<hbm>>
    tpu.wait_indirect_dma semaphore(%arg11 : memref<!tpu.dma_semaphore, #tpu.memory_space<semaphore_mem>>) src(%dma_wait3A_61 : memref<100000x128xf32, #tpu.memory_space<hbm>>) dst(%arg7 : memref<128x128xf32, #tpu.memory_space<vmem>>)
    %add3A_62 = arith.constant 128 : i32
    %add3A_63 = arith.addi %mul3A_2, %add3A_62 : i32
    %dma_start3A_64 = arith.constant 0 : i32
    %dma_start3A_65 = tpu.memref_slice %arg4[%add3A_63, %dma_start3A_64] : memref<106496x128xf32, #tpu.memory_space<hbm>> -> memref<128x128xf32, #tpu.memory_space<hbm>>
    %dma_start3A_66 = arith.constant 0 : i32
    %dma_start3A_67 = tpu.memref_slice %arg4[%add3A_63, %dma_start3A_66] : memref<106496x128xf32, #tpu.memory_space<hbm>> -> memref<128x128xf32, #tpu.memory_space<hbm>>
    tpu.enqueue_dma source(%arg7 : memref<128x128xf32, #tpu.memory_space<vmem>>) target(%dma_start3A_67 : memref<128x128xf32, #tpu.memory_space<hbm>>) target_semaphore(%arg15 : memref<!tpu.dma_semaphore, #tpu.memory_space<semaphore_mem>>)
    %add3A_68 = arith.constant 128 : i32
    %add3A_69 = arith.addi %mul3A_2, %add3A_68 : i32
    %dma_wait3A_70 = arith.constant 0 : i32
    %dma_wait3A_71 = tpu.memref_slice %arg4[%add3A_69, %dma_wait3A_70] : memref<106496x128xf32, #tpu.memory_space<hbm>> -> memref<128x128xf32, #tpu.memory_space<hbm>>
    %dma_wait3A_72 = arith.constant 0 : i32
    %dma_wait3A_73 = tpu.memref_slice %arg4[%add3A_69, %dma_wait3A_72] : memref<106496x128xf32, #tpu.memory_space<hbm>> -> memref<128x128xf32, #tpu.memory_space<hbm>>
    tpu.wait_dma2 semaphore(%arg15 : memref<!tpu.dma_semaphore, #tpu.memory_space<semaphore_mem>>) src(%arg7 : memref<128x128xf32, #tpu.memory_space<vmem>>) dst(%dma_wait3A_73 : memref<128x128xf32, #tpu.memory_space<hbm>>)
    %dma_start3A_74 = arith.constant 5 : i32
    %dma_start3A_75 = arith.constant 0 : i32
    %dma_start3A_76 = tpu.memref_slice %arg5[%dma_start3A_74, %dma_start3A_75] : memref<26x128xi32, #tpu.memory_space<vmem>> -> memref<1x128xi32, #tpu.memory_space<vmem>>
    %dma_start3A_77 = tpu.memref_squeeze %dma_start3A_76 : memref<1x128xi32, #tpu.memory_space<vmem>> -> memref<128xi32, #tpu.memory_space<vmem>>
    %dma_start3A_78 = arith.constant 0 : i32
    %dma_start3A_79 = arith.constant 0 : i32
    %dma_start3A_80 = tpu.memref_slice %arg2[%dma_start3A_78, %dma_start3A_79] : memref<100000x128xf32, #tpu.memory_space<hbm>> -> memref<100000x128xf32, #tpu.memory_space<hbm>>
    tpu.enqueue_indirect_dma source(%dma_start3A_80 : memref<100000x128xf32, #tpu.memory_space<hbm>>) target(%arg7 : memref<128x128xf32, #tpu.memory_space<vmem>>) offsets(%dma_start3A_77 : memref<128xi32, #tpu.memory_space<vmem>>) semaphore(%arg11 : memref<!tpu.dma_semaphore, #tpu.memory_space<semaphore_mem>>)
    %dma_wait3A_81 = arith.constant 2 : i32
    %dma_wait3A_82 = arith.constant 0 : i32
    %dma_wait3A_83 = tpu.memref_slice %arg5[%dma_wait3A_81, %dma_wait3A_82] : memref<26x128xi32, #tpu.memory_space<vmem>> -> memref<1x128xi32, #tpu.memory_space<vmem>>
    %dma_wait3A_84 = tpu.memref_squeeze %dma_wait3A_83 : memref<1x128xi32, #tpu.memory_space<vmem>> -> memref<128xi32, #tpu.memory_space<vmem>>
    %dma_wait3A_85 = arith.constant 0 : i32
    %dma_wait3A_86 = arith.constant 0 : i32
    %dma_wait3A_87 = tpu.memref_slice %arg2[%dma_wait3A_85, %dma_wait3A_86] : memref<100000x128xf32, #tpu.memory_space<hbm>> -> memref<100000x128xf32, #tpu.memory_space<hbm>>
    tpu.wait_indirect_dma semaphore(%arg12 : memref<!tpu.dma_semaphore, #tpu.memory_space<semaphore_mem>>) src(%dma_wait3A_87 : memref<100000x128xf32, #tpu.memory_space<hbm>>) dst(%arg8 : memref<128x128xf32, #tpu.memory_space<vmem>>)
    %add3A_88 = arith.constant 256 : i32
    %add3A_89 = arith.addi %mul3A_2, %add3A_88 : i32
    %dma_start3A_90 = arith.constant 0 : i32
    %dma_start3A_91 = tpu.memref_slice %arg4[%add3A_89, %dma_start3A_90] : memref<106496x128xf32, #tpu.memory_space<hbm>> -> memref<128x128xf32, #tpu.memory_space<hbm>>
    %dma_start3A_92 = arith.constant 0 : i32
    %dma_start3A_93 = tpu.memref_slice %arg4[%add3A_89, %dma_start3A_92] : memref<106496x128xf32, #tpu.memory_space<hbm>> -> memref<128x128xf32, #tpu.memory_space<hbm>>
    tpu.enqueue_dma source(%arg8 : memref<128x128xf32, #tpu.memory_space<vmem>>) target(%dma_start3A_93 : memref<128x128xf32, #tpu.memory_space<hbm>>) target_semaphore(%arg16 : memref<!tpu.dma_semaphore, #tpu.memory_space<semaphore_mem>>)
    %add3A_94 = arith.constant 256 : i32
    %add3A_95 = arith.addi %mul3A_2, %add3A_94 : i32
    %dma_wait3A_96 = arith.constant 0 : i32
    %dma_wait3A_97 = tpu.memref_slice %arg4[%add3A_95, %dma_wait3A_96] : memref<106496x128xf32, #tpu.memory_space<hbm>> -> memref<128x128xf32, #tpu.memory_space<hbm>>
    %dma_wait3A_98 = arith.constant 0 : i32
    %dma_wait3A_99 = tpu.memref_slice %arg4[%add3A_95, %dma_wait3A_98] : memref<106496x128xf32, #tpu.memory_space<hbm>> -> memref<128x128xf32, #tpu.memory_space<hbm>>
    tpu.wait_dma2 semaphore(%arg16 : memref<!tpu.dma_semaphore, #tpu.memory_space<semaphore_mem>>) src(%arg8 : memref<128x128xf32, #tpu.memory_space<vmem>>) dst(%dma_wait3A_99 : memref<128x128xf32, #tpu.memory_space<hbm>>)
    %dma_start3A_100 = arith.constant 6 : i32
    %dma_start3A_101 = arith.constant 0 : i32
    %dma_start3A_102 = tpu.memref_slice %arg5[%dma_start3A_100, %dma_start3A_101] : memref<26x128xi32, #tpu.memory_space<vmem>> -> memref<1x128xi32, #tpu.memory_space<vmem>>
    %dma_start3A_103 = tpu.memref_squeeze %dma_start3A_102 : memref<1x128xi32, #tpu.memory_space<vmem>> -> memref<128xi32, #tpu.memory_space<vmem>>
    %dma_start3A_104 = arith.constant 0 : i32
    %dma_start3A_105 = arith.constant 0 : i32
    %dma_start3A_106 = tpu.memref_slice %arg2[%dma_start3A_104, %dma_start3A_105] : memref<100000x128xf32, #tpu.memory_space<hbm>> -> memref<100000x128xf32, #tpu.memory_space<hbm>>
    tpu.enqueue_indirect_dma source(%dma_start3A_106 : memref<100000x128xf32, #tpu.memory_space<hbm>>) target(%arg8 : memref<128x128xf32, #tpu.memory_space<vmem>>) offsets(%dma_start3A_103 : memref<128xi32, #tpu.memory_space<vmem>>) semaphore(%arg12 : memref<!tpu.dma_semaphore, #tpu.memory_space<semaphore_mem>>)
    %dma_wait3A_107 = arith.constant 3 : i32
    %dma_wait3A_108 = arith.constant 0 : i32
    %dma_wait3A_109 = tpu.memref_slice %arg5[%dma_wait3A_107, %dma_wait3A_108] : memref<26x128xi32, #tpu.memory_space<vmem>> -> memref<1x128xi32, #tpu.memory_space<vmem>>
    %dma_wait3A_110 = tpu.memref_squeeze %dma_wait3A_109 : memref<1x128xi32, #tpu.memory_space<vmem>> -> memref<128xi32, #tpu.memory_space<vmem>>
    %dma_wait3A_111 = arith.constant 0 : i32
    %dma_wait3A_112 = arith.constant 0 : i32
    %dma_wait3A_113 = tpu.memref_slice %arg2[%dma_wait3A_111, %dma_wait3A_112] : memref<100000x128xf32, #tpu.memory_space<hbm>> -> memref<100000x128xf32, #tpu.memory_space<hbm>>
    tpu.wait_indirect_dma semaphore(%arg13 : memref<!tpu.dma_semaphore, #tpu.memory_space<semaphore_mem>>) src(%dma_wait3A_113 : memref<100000x128xf32, #tpu.memory_space<hbm>>) dst(%arg9 : memref<128x128xf32, #tpu.memory_space<vmem>>)
    %add3A_114 = arith.constant 384 : i32
    %add3A_115 = arith.addi %mul3A_2, %add3A_114 : i32
    %dma_start3A_116 = arith.constant 0 : i32
    %dma_start3A_117 = tpu.memref_slice %arg4[%add3A_115, %dma_start3A_116] : memref<106496x128xf32, #tpu.memory_space<hbm>> -> memref<128x128xf32, #tpu.memory_space<hbm>>
    %dma_start3A_118 = arith.constant 0 : i32
    %dma_start3A_119 = tpu.memref_slice %arg4[%add3A_115, %dma_start3A_118] : memref<106496x128xf32, #tpu.memory_space<hbm>> -> memref<128x128xf32, #tpu.memory_space<hbm>>
    tpu.enqueue_dma source(%arg9 : memref<128x128xf32, #tpu.memory_space<vmem>>) target(%dma_start3A_119 : memref<128x128xf32, #tpu.memory_space<hbm>>) target_semaphore(%arg17 : memref<!tpu.dma_semaphore, #tpu.memory_space<semaphore_mem>>)
    %add3A_120 = arith.constant 384 : i32
    %add3A_121 = arith.addi %mul3A_2, %add3A_120 : i32
    %dma_wait3A_122 = arith.constant 0 : i32
    %dma_wait3A_123 = tpu.memref_slice %arg4[%add3A_121, %dma_wait3A_122] : memref<106496x128xf32, #tpu.memory_space<hbm>> -> memref<128x128xf32, #tpu.memory_space<hbm>>
    %dma_wait3A_124 = arith.constant 0 : i32
    %dma_wait3A_125 = tpu.memref_slice %arg4[%add3A_121, %dma_wait3A_124] : memref<106496x128xf32, #tpu.memory_space<hbm>> -> memref<128x128xf32, #tpu.memory_space<hbm>>
    tpu.wait_dma2 semaphore(%arg17 : memref<!tpu.dma_semaphore, #tpu.memory_space<semaphore_mem>>) src(%arg9 : memref<128x128xf32, #tpu.memory_space<vmem>>) dst(%dma_wait3A_125 : memref<128x128xf32, #tpu.memory_space<hbm>>)
    %dma_start3A_126 = arith.constant 7 : i32
    %dma_start3A_127 = arith.constant 0 : i32
    %dma_start3A_128 = tpu.memref_slice %arg5[%dma_start3A_126, %dma_start3A_127] : memref<26x128xi32, #tpu.memory_space<vmem>> -> memref<1x128xi32, #tpu.memory_space<vmem>>
    %dma_start3A_129 = tpu.memref_squeeze %dma_start3A_128 : memref<1x128xi32, #tpu.memory_space<vmem>> -> memref<128xi32, #tpu.memory_space<vmem>>
    %dma_start3A_130 = arith.constant 0 : i32
    %dma_start3A_131 = arith.constant 0 : i32
    %dma_start3A_132 = tpu.memref_slice %arg2[%dma_start3A_130, %dma_start3A_131] : memref<100000x128xf32, #tpu.memory_space<hbm>> -> memref<100000x128xf32, #tpu.memory_space<hbm>>
    tpu.enqueue_indirect_dma source(%dma_start3A_132 : memref<100000x128xf32, #tpu.memory_space<hbm>>) target(%arg9 : memref<128x128xf32, #tpu.memory_space<vmem>>) offsets(%dma_start3A_129 : memref<128xi32, #tpu.memory_space<vmem>>) semaphore(%arg13 : memref<!tpu.dma_semaphore, #tpu.memory_space<semaphore_mem>>)
    %dma_wait3A_133 = arith.constant 4 : i32
    %dma_wait3A_134 = arith.constant 0 : i32
    %dma_wait3A_135 = tpu.memref_slice %arg5[%dma_wait3A_133, %dma_wait3A_134] : memref<26x128xi32, #tpu.memory_space<vmem>> -> memref<1x128xi32, #tpu.memory_space<vmem>>
    %dma_wait3A_136 = tpu.memref_squeeze %dma_wait3A_135 : memref<1x128xi32, #tpu.memory_space<vmem>> -> memref<128xi32, #tpu.memory_space<vmem>>
    %dma_wait3A_137 = arith.constant 0 : i32
    %dma_wait3A_138 = arith.constant 0 : i32
    %dma_wait3A_139 = tpu.memref_slice %arg2[%dma_wait3A_137, %dma_wait3A_138] : memref<100000x128xf32, #tpu.memory_space<hbm>> -> memref<100000x128xf32, #tpu.memory_space<hbm>>
    tpu.wait_indirect_dma semaphore(%arg10 : memref<!tpu.dma_semaphore, #tpu.memory_space<semaphore_mem>>) src(%dma_wait3A_139 : memref<100000x128xf32, #tpu.memory_space<hbm>>) dst(%arg6 : memref<128x128xf32, #tpu.memory_space<vmem>>)
    %add3A_140 = arith.constant 512 : i32
    %add3A_141 = arith.addi %mul3A_2, %add3A_140 : i32
    %dma_start3A_142 = arith.constant 0 : i32
    %dma_start3A_143 = tpu.memref_slice %arg4[%add3A_141, %dma_start3A_142] : memref<106496x128xf32, #tpu.memory_space<hbm>> -> memref<128x128xf32, #tpu.memory_space<hbm>>
    %dma_start3A_144 = arith.constant 0 : i32
    %dma_start3A_145 = tpu.memref_slice %arg4[%add3A_141, %dma_start3A_144] : memref<106496x128xf32, #tpu.memory_space<hbm>> -> memref<128x128xf32, #tpu.memory_space<hbm>>
    tpu.enqueue_dma source(%arg6 : memref<128x128xf32, #tpu.memory_space<vmem>>) target(%dma_start3A_145 : memref<128x128xf32, #tpu.memory_space<hbm>>) target_semaphore(%arg14 : memref<!tpu.dma_semaphore, #tpu.memory_space<semaphore_mem>>)
    %add3A_146 = arith.constant 512 : i32
    %add3A_147 = arith.addi %mul3A_2, %add3A_146 : i32
    %dma_wait3A_148 = arith.constant 0 : i32
    %dma_wait3A_149 = tpu.memref_slice %arg4[%add3A_147, %dma_wait3A_148] : memref<106496x128xf32, #tpu.memory_space<hbm>> -> memref<128x128xf32, #tpu.memory_space<hbm>>
    %dma_wait3A_150 = arith.constant 0 : i32
    %dma_wait3A_151 = tpu.memref_slice %arg4[%add3A_147, %dma_wait3A_150] : memref<106496x128xf32, #tpu.memory_space<hbm>> -> memref<128x128xf32, #tpu.memory_space<hbm>>
    tpu.wait_dma2 semaphore(%arg14 : memref<!tpu.dma_semaphore, #tpu.memory_space<semaphore_mem>>) src(%arg6 : memref<128x128xf32, #tpu.memory_space<vmem>>) dst(%dma_wait3A_151 : memref<128x128xf32, #tpu.memory_space<hbm>>)
    %dma_start3A_152 = arith.constant 8 : i32
    %dma_start3A_153 = arith.constant 0 : i32
    %dma_start3A_154 = tpu.memref_slice %arg5[%dma_start3A_152, %dma_start3A_153] : memref<26x128xi32, #tpu.memory_space<vmem>> -> memref<1x128xi32, #tpu.memory_space<vmem>>
    %dma_start3A_155 = tpu.memref_squeeze %dma_start3A_154 : memref<1x128xi32, #tpu.memory_space<vmem>> -> memref<128xi32, #tpu.memory_space<vmem>>
    %dma_start3A_156 = arith.constant 0 : i32
    %dma_start3A_157 = arith.constant 0 : i32
    %dma_start3A_158 = tpu.memref_slice %arg2[%dma_start3A_156, %dma_start3A_157] : memref<100000x128xf32, #tpu.memory_space<hbm>> -> memref<100000x128xf32, #tpu.memory_space<hbm>>
    tpu.enqueue_indirect_dma source(%dma_start3A_158 : memref<100000x128xf32, #tpu.memory_space<hbm>>) target(%arg6 : memref<128x128xf32, #tpu.memory_space<vmem>>) offsets(%dma_start3A_155 : memref<128xi32, #tpu.memory_space<vmem>>) semaphore(%arg10 : memref<!tpu.dma_semaphore, #tpu.memory_space<semaphore_mem>>)
    %dma_wait3A_159 = arith.constant 5 : i32
    %dma_wait3A_160 = arith.constant 0 : i32
    %dma_wait3A_161 = tpu.memref_slice %arg5[%dma_wait3A_159, %dma_wait3A_160] : memref<26x128xi32, #tpu.memory_space<vmem>> -> memref<1x128xi32, #tpu.memory_space<vmem>>
    %dma_wait3A_162 = tpu.memref_squeeze %dma_wait3A_161 : memref<1x128xi32, #tpu.memory_space<vmem>> -> memref<128xi32, #tpu.memory_space<vmem>>
    %dma_wait3A_163 = arith.constant 0 : i32
    %dma_wait3A_164 = arith.constant 0 : i32
    %dma_wait3A_165 = tpu.memref_slice %arg2[%dma_wait3A_163, %dma_wait3A_164] : memref<100000x128xf32, #tpu.memory_space<hbm>> -> memref<100000x128xf32, #tpu.memory_space<hbm>>
    tpu.wait_indirect_dma semaphore(%arg11 : memref<!tpu.dma_semaphore, #tpu.memory_space<semaphore_mem>>) src(%dma_wait3A_165 : memref<100000x128xf32, #tpu.memory_space<hbm>>) dst(%arg7 : memref<128x128xf32, #tpu.memory_space<vmem>>)
    %add3A_166 = arith.constant 640 : i32
    %add3A_167 = arith.addi %mul3A_2, %add3A_166 : i32
    %dma_start3A_168 = arith.constant 0 : i32
    %dma_start3A_169 = tpu.memref_slice %arg4[%add3A_167, %dma_start3A_168] : memref<106496x128xf32, #tpu.memory_space<hbm>> -> memref<128x128xf32, #tpu.memory_space<hbm>>
    %dma_start3A_170 = arith.constant 0 : i32
    %dma_start3A_171 = tpu.memref_slice %arg4[%add3A_167, %dma_start3A_170] : memref<106496x128xf32, #tpu.memory_space<hbm>> -> memref<128x128xf32, #tpu.memory_space<hbm>>
    tpu.enqueue_dma source(%arg7 : memref<128x128xf32, #tpu.memory_space<vmem>>) target(%dma_start3A_171 : memref<128x128xf32, #tpu.memory_space<hbm>>) target_semaphore(%arg15 : memref<!tpu.dma_semaphore, #tpu.memory_space<semaphore_mem>>)
    %add3A_172 = arith.constant 640 : i32
    %add3A_173 = arith.addi %mul3A_2, %add3A_172 : i32
    %dma_wait3A_174 = arith.constant 0 : i32
    %dma_wait3A_175 = tpu.memref_slice %arg4[%add3A_173, %dma_wait3A_174] : memref<106496x128xf32, #tpu.memory_space<hbm>> -> memref<128x128xf32, #tpu.memory_space<hbm>>
    %dma_wait3A_176 = arith.constant 0 : i32
    %dma_wait3A_177 = tpu.memref_slice %arg4[%add3A_173, %dma_wait3A_176] : memref<106496x128xf32, #tpu.memory_space<hbm>> -> memref<128x128xf32, #tpu.memory_space<hbm>>
    tpu.wait_dma2 semaphore(%arg15 : memref<!tpu.dma_semaphore, #tpu.memory_space<semaphore_mem>>) src(%arg7 : memref<128x128xf32, #tpu.memory_space<vmem>>) dst(%dma_wait3A_177 : memref<128x128xf32, #tpu.memory_space<hbm>>)
    %dma_start3A_178 = arith.constant 9 : i32
    %dma_start3A_179 = arith.constant 0 : i32
    %dma_start3A_180 = tpu.memref_slice %arg5[%dma_start3A_178, %dma_start3A_179] : memref<26x128xi32, #tpu.memory_space<vmem>> -> memref<1x128xi32, #tpu.memory_space<vmem>>
    %dma_start3A_181 = tpu.memref_squeeze %dma_start3A_180 : memref<1x128xi32, #tpu.memory_space<vmem>> -> memref<128xi32, #tpu.memory_space<vmem>>
    %dma_start3A_182 = arith.constant 0 : i32
    %dma_start3A_183 = arith.constant 0 : i32
    %dma_start3A_184 = tpu.memref_slice %arg2[%dma_start3A_182, %dma_start3A_183] : memref<100000x128xf32, #tpu.memory_space<hbm>> -> memref<100000x128xf32, #tpu.memory_space<hbm>>
    tpu.enqueue_indirect_dma source(%dma_start3A_184 : memref<100000x128xf32, #tpu.memory_space<hbm>>) target(%arg7 : memref<128x128xf32, #tpu.memory_space<vmem>>) offsets(%dma_start3A_181 : memref<128xi32, #tpu.memory_space<vmem>>) semaphore(%arg11 : memref<!tpu.dma_semaphore, #tpu.memory_space<semaphore_mem>>)
    %dma_wait3A_185 = arith.constant 6 : i32
    %dma_wait3A_186 = arith.constant 0 : i32
    %dma_wait3A_187 = tpu.memref_slice %arg5[%dma_wait3A_185, %dma_wait3A_186] : memref<26x128xi32, #tpu.memory_space<vmem>> -> memref<1x128xi32, #tpu.memory_space<vmem>>
    %dma_wait3A_188 = tpu.memref_squeeze %dma_wait3A_187 : memref<1x128xi32, #tpu.memory_space<vmem>> -> memref<128xi32, #tpu.memory_space<vmem>>
    %dma_wait3A_189 = arith.constant 0 : i32
    %dma_wait3A_190 = arith.constant 0 : i32
    %dma_wait3A_191 = tpu.memref_slice %arg2[%dma_wait3A_189, %dma_wait3A_190] : memref<100000x128xf32, #tpu.memory_space<hbm>> -> memref<100000x128xf32, #tpu.memory_space<hbm>>
    tpu.wait_indirect_dma semaphore(%arg12 : memref<!tpu.dma_semaphore, #tpu.memory_space<semaphore_mem>>) src(%dma_wait3A_191 : memref<100000x128xf32, #tpu.memory_space<hbm>>) dst(%arg8 : memref<128x128xf32, #tpu.memory_space<vmem>>)
    %add3A_192 = arith.constant 768 : i32
    %add3A_193 = arith.addi %mul3A_2, %add3A_192 : i32
    %dma_start3A_194 = arith.constant 0 : i32
    %dma_start3A_195 = tpu.memref_slice %arg4[%add3A_193, %dma_start3A_194] : memref<106496x128xf32, #tpu.memory_space<hbm>> -> memref<128x128xf32, #tpu.memory_space<hbm>>
    %dma_start3A_196 = arith.constant 0 : i32
    %dma_start3A_197 = tpu.memref_slice %arg4[%add3A_193, %dma_start3A_196] : memref<106496x128xf32, #tpu.memory_space<hbm>> -> memref<128x128xf32, #tpu.memory_space<hbm>>
    tpu.enqueue_dma source(%arg8 : memref<128x128xf32, #tpu.memory_space<vmem>>) target(%dma_start3A_197 : memref<128x128xf32, #tpu.memory_space<hbm>>) target_semaphore(%arg16 : memref<!tpu.dma_semaphore, #tpu.memory_space<semaphore_mem>>)
    %add3A_198 = arith.constant 768 : i32
    %add3A_199 = arith.addi %mul3A_2, %add3A_198 : i32
    %dma_wait3A_200 = arith.constant 0 : i32
    %dma_wait3A_201 = tpu.memref_slice %arg4[%add3A_199, %dma_wait3A_200] : memref<106496x128xf32, #tpu.memory_space<hbm>> -> memref<128x128xf32, #tpu.memory_space<hbm>>
    %dma_wait3A_202 = arith.constant 0 : i32
    %dma_wait3A_203 = tpu.memref_slice %arg4[%add3A_199, %dma_wait3A_202] : memref<106496x128xf32, #tpu.memory_space<hbm>> -> memref<128x128xf32, #tpu.memory_space<hbm>>
    tpu.wait_dma2 semaphore(%arg16 : memref<!tpu.dma_semaphore, #tpu.memory_space<semaphore_mem>>) src(%arg8 : memref<128x128xf32, #tpu.memory_space<vmem>>) dst(%dma_wait3A_203 : memref<128x128xf32, #tpu.memory_space<hbm>>)
    %dma_start3A_204 = arith.constant 10 : i32
    %dma_start3A_205 = arith.constant 0 : i32
    %dma_start3A_206 = tpu.memref_slice %arg5[%dma_start3A_204, %dma_start3A_205] : memref<26x128xi32, #tpu.memory_space<vmem>> -> memref<1x128xi32, #tpu.memory_space<vmem>>
    %dma_start3A_207 = tpu.memref_squeeze %dma_start3A_206 : memref<1x128xi32, #tpu.memory_space<vmem>> -> memref<128xi32, #tpu.memory_space<vmem>>
    %dma_start3A_208 = arith.constant 0 : i32
    %dma_start3A_209 = arith.constant 0 : i32
    %dma_start3A_210 = tpu.memref_slice %arg2[%dma_start3A_208, %dma_start3A_209] : memref<100000x128xf32, #tpu.memory_space<hbm>> -> memref<100000x128xf32, #tpu.memory_space<hbm>>
    tpu.enqueue_indirect_dma source(%dma_start3A_210 : memref<100000x128xf32, #tpu.memory_space<hbm>>) target(%arg8 : memref<128x128xf32, #tpu.memory_space<vmem>>) offsets(%dma_start3A_207 : memref<128xi32, #tpu.memory_space<vmem>>) semaphore(%arg12 : memref<!tpu.dma_semaphore, #tpu.memory_space<semaphore_mem>>)
    %dma_wait3A_211 = arith.constant 7 : i32
    %dma_wait3A_212 = arith.constant 0 : i32
    %dma_wait3A_213 = tpu.memref_slice %arg5[%dma_wait3A_211, %dma_wait3A_212] : memref<26x128xi32, #tpu.memory_space<vmem>> -> memref<1x128xi32, #tpu.memory_space<vmem>>
    %dma_wait3A_214 = tpu.memref_squeeze %dma_wait3A_213 : memref<1x128xi32, #tpu.memory_space<vmem>> -> memref<128xi32, #tpu.memory_space<vmem>>
    %dma_wait3A_215 = arith.constant 0 : i32
    %dma_wait3A_216 = arith.constant 0 : i32
    %dma_wait3A_217 = tpu.memref_slice %arg2[%dma_wait3A_215, %dma_wait3A_216] : memref<100000x128xf32, #tpu.memory_space<hbm>> -> memref<100000x128xf32, #tpu.memory_space<hbm>>
    tpu.wait_indirect_dma semaphore(%arg13 : memref<!tpu.dma_semaphore, #tpu.memory_space<semaphore_mem>>) src(%dma_wait3A_217 : memref<100000x128xf32, #tpu.memory_space<hbm>>) dst(%arg9 : memref<128x128xf32, #tpu.memory_space<vmem>>)
    %add3A_218 = arith.constant 896 : i32
    %add3A_219 = arith.addi %mul3A_2, %add3A_218 : i32
    %dma_start3A_220 = arith.constant 0 : i32
    %dma_start3A_221 = tpu.memref_slice %arg4[%add3A_219, %dma_start3A_220] : memref<106496x128xf32, #tpu.memory_space<hbm>> -> memref<128x128xf32, #tpu.memory_space<hbm>>
    %dma_start3A_222 = arith.constant 0 : i32
    %dma_start3A_223 = tpu.memref_slice %arg4[%add3A_219, %dma_start3A_222] : memref<106496x128xf32, #tpu.memory_space<hbm>> -> memref<128x128xf32, #tpu.memory_space<hbm>>
    tpu.enqueue_dma source(%arg9 : memref<128x128xf32, #tpu.memory_space<vmem>>) target(%dma_start3A_223 : memref<128x128xf32, #tpu.memory_space<hbm>>) target_semaphore(%arg17 : memref<!tpu.dma_semaphore, #tpu.memory_space<semaphore_mem>>)
    %add3A_224 = arith.constant 896 : i32
    %add3A_225 = arith.addi %mul3A_2, %add3A_224 : i32
    %dma_wait3A_226 = arith.constant 0 : i32
    %dma_wait3A_227 = tpu.memref_slice %arg4[%add3A_225, %dma_wait3A_226] : memref<106496x128xf32, #tpu.memory_space<hbm>> -> memref<128x128xf32, #tpu.memory_space<hbm>>
    %dma_wait3A_228 = arith.constant 0 : i32
    %dma_wait3A_229 = tpu.memref_slice %arg4[%add3A_225, %dma_wait3A_228] : memref<106496x128xf32, #tpu.memory_space<hbm>> -> memref<128x128xf32, #tpu.memory_space<hbm>>
    tpu.wait_dma2 semaphore(%arg17 : memref<!tpu.dma_semaphore, #tpu.memory_space<semaphore_mem>>) src(%arg9 : memref<128x128xf32, #tpu.memory_space<vmem>>) dst(%dma_wait3A_229 : memref<128x128xf32, #tpu.memory_space<hbm>>)
    %dma_start3A_230 = arith.constant 11 : i32
    %dma_start3A_231 = arith.constant 0 : i32
    %dma_start3A_232 = tpu.memref_slice %arg5[%dma_start3A_230, %dma_start3A_231] : memref<26x128xi32, #tpu.memory_space<vmem>> -> memref<1x128xi32, #tpu.memory_space<vmem>>
    %dma_start3A_233 = tpu.memref_squeeze %dma_start3A_232 : memref<1x128xi32, #tpu.memory_space<vmem>> -> memref<128xi32, #tpu.memory_space<vmem>>
    %dma_start3A_234 = arith.constant 0 : i32
    %dma_start3A_235 = arith.constant 0 : i32
    %dma_start3A_236 = tpu.memref_slice %arg2[%dma_start3A_234, %dma_start3A_235] : memref<100000x128xf32, #tpu.memory_space<hbm>> -> memref<100000x128xf32, #tpu.memory_space<hbm>>
    tpu.enqueue_indirect_dma source(%dma_start3A_236 : memref<100000x128xf32, #tpu.memory_space<hbm>>) target(%arg9 : memref<128x128xf32, #tpu.memory_space<vmem>>) offsets(%dma_start3A_233 : memref<128xi32, #tpu.memory_space<vmem>>) semaphore(%arg13 : memref<!tpu.dma_semaphore, #tpu.memory_space<semaphore_mem>>)
    %dma_wait3A_237 = arith.constant 8 : i32
    %dma_wait3A_238 = arith.constant 0 : i32
    %dma_wait3A_239 = tpu.memref_slice %arg5[%dma_wait3A_237, %dma_wait3A_238] : memref<26x128xi32, #tpu.memory_space<vmem>> -> memref<1x128xi32, #tpu.memory_space<vmem>>
    %dma_wait3A_240 = tpu.memref_squeeze %dma_wait3A_239 : memref<1x128xi32, #tpu.memory_space<vmem>> -> memref<128xi32, #tpu.memory_space<vmem>>
    %dma_wait3A_241 = arith.constant 0 : i32
    %dma_wait3A_242 = arith.constant 0 : i32
    %dma_wait3A_243 = tpu.memref_slice %arg2[%dma_wait3A_241, %dma_wait3A_242] : memref<100000x128xf32, #tpu.memory_space<hbm>> -> memref<100000x128xf32, #tpu.memory_space<hbm>>
    tpu.wait_indirect_dma semaphore(%arg10 : memref<!tpu.dma_semaphore, #tpu.memory_space<semaphore_mem>>) src(%dma_wait3A_243 : memref<100000x128xf32, #tpu.memory_space<hbm>>) dst(%arg6 : memref<128x128xf32, #tpu.memory_space<vmem>>)
    %add3A_244 = arith.constant 1024 : i32
    %add3A_245 = arith.addi %mul3A_2, %add3A_244 : i32
    %dma_start3A_246 = arith.constant 0 : i32
    %dma_start3A_247 = tpu.memref_slice %arg4[%add3A_245, %dma_start3A_246] : memref<106496x128xf32, #tpu.memory_space<hbm>> -> memref<128x128xf32, #tpu.memory_space<hbm>>
    %dma_start3A_248 = arith.constant 0 : i32
    %dma_start3A_249 = tpu.memref_slice %arg4[%add3A_245, %dma_start3A_248] : memref<106496x128xf32, #tpu.memory_space<hbm>> -> memref<128x128xf32, #tpu.memory_space<hbm>>
    tpu.enqueue_dma source(%arg6 : memref<128x128xf32, #tpu.memory_space<vmem>>) target(%dma_start3A_249 : memref<128x128xf32, #tpu.memory_space<hbm>>) target_semaphore(%arg14 : memref<!tpu.dma_semaphore, #tpu.memory_space<semaphore_mem>>)
    %add3A_250 = arith.constant 1024 : i32
    %add3A_251 = arith.addi %mul3A_2, %add3A_250 : i32
    %dma_wait3A_252 = arith.constant 0 : i32
    %dma_wait3A_253 = tpu.memref_slice %arg4[%add3A_251, %dma_wait3A_252] : memref<106496x128xf32, #tpu.memory_space<hbm>> -> memref<128x128xf32, #tpu.memory_space<hbm>>
    %dma_wait3A_254 = arith.constant 0 : i32
    %dma_wait3A_255 = tpu.memref_slice %arg4[%add3A_251, %dma_wait3A_254] : memref<106496x128xf32, #tpu.memory_space<hbm>> -> memref<128x128xf32, #tpu.memory_space<hbm>>
    tpu.wait_dma2 semaphore(%arg14 : memref<!tpu.dma_semaphore, #tpu.memory_space<semaphore_mem>>) src(%arg6 : memref<128x128xf32, #tpu.memory_space<vmem>>) dst(%dma_wait3A_255 : memref<128x128xf32, #tpu.memory_space<hbm>>)
    %dma_start3A_256 = arith.constant 12 : i32
    %dma_start3A_257 = arith.constant 0 : i32
    %dma_start3A_258 = tpu.memref_slice %arg5[%dma_start3A_256, %dma_start3A_257] : memref<26x128xi32, #tpu.memory_space<vmem>> -> memref<1x128xi32, #tpu.memory_space<vmem>>
    %dma_start3A_259 = tpu.memref_squeeze %dma_start3A_258 : memref<1x128xi32, #tpu.memory_space<vmem>> -> memref<128xi32, #tpu.memory_space<vmem>>
    %dma_start3A_260 = arith.constant 0 : i32
    %dma_start3A_261 = arith.constant 0 : i32
    %dma_start3A_262 = tpu.memref_slice %arg2[%dma_start3A_260, %dma_start3A_261] : memref<100000x128xf32, #tpu.memory_space<hbm>> -> memref<100000x128xf32, #tpu.memory_space<hbm>>
    tpu.enqueue_indirect_dma source(%dma_start3A_262 : memref<100000x128xf32, #tpu.memory_space<hbm>>) target(%arg6 : memref<128x128xf32, #tpu.memory_space<vmem>>) offsets(%dma_start3A_259 : memref<128xi32, #tpu.memory_space<vmem>>) semaphore(%arg10 : memref<!tpu.dma_semaphore, #tpu.memory_space<semaphore_mem>>)
    %dma_wait3A_263 = arith.constant 9 : i32
    %dma_wait3A_264 = arith.constant 0 : i32
    %dma_wait3A_265 = tpu.memref_slice %arg5[%dma_wait3A_263, %dma_wait3A_264] : memref<26x128xi32, #tpu.memory_space<vmem>> -> memref<1x128xi32, #tpu.memory_space<vmem>>
    %dma_wait3A_266 = tpu.memref_squeeze %dma_wait3A_265 : memref<1x128xi32, #tpu.memory_space<vmem>> -> memref<128xi32, #tpu.memory_space<vmem>>
    %dma_wait3A_267 = arith.constant 0 : i32
    %dma_wait3A_268 = arith.constant 0 : i32
    %dma_wait3A_269 = tpu.memref_slice %arg2[%dma_wait3A_267, %dma_wait3A_268] : memref<100000x128xf32, #tpu.memory_space<hbm>> -> memref<100000x128xf32, #tpu.memory_space<hbm>>
    tpu.wait_indirect_dma semaphore(%arg11 : memref<!tpu.dma_semaphore, #tpu.memory_space<semaphore_mem>>) src(%dma_wait3A_269 : memref<100000x128xf32, #tpu.memory_space<hbm>>) dst(%arg7 : memref<128x128xf32, #tpu.memory_space<vmem>>)
    %add3A_270 = arith.constant 1152 : i32
    %add3A_271 = arith.addi %mul3A_2, %add3A_270 : i32
    %dma_start3A_272 = arith.constant 0 : i32
    %dma_start3A_273 = tpu.memref_slice %arg4[%add3A_271, %dma_start3A_272] : memref<106496x128xf32, #tpu.memory_space<hbm>> -> memref<128x128xf32, #tpu.memory_space<hbm>>
    %dma_start3A_274 = arith.constant 0 : i32
    %dma_start3A_275 = tpu.memref_slice %arg4[%add3A_271, %dma_start3A_274] : memref<106496x128xf32, #tpu.memory_space<hbm>> -> memref<128x128xf32, #tpu.memory_space<hbm>>
    tpu.enqueue_dma source(%arg7 : memref<128x128xf32, #tpu.memory_space<vmem>>) target(%dma_start3A_275 : memref<128x128xf32, #tpu.memory_space<hbm>>) target_semaphore(%arg15 : memref<!tpu.dma_semaphore, #tpu.memory_space<semaphore_mem>>)
    %add3A_276 = arith.constant 1152 : i32
    %add3A_277 = arith.addi %mul3A_2, %add3A_276 : i32
    %dma_wait3A_278 = arith.constant 0 : i32
    %dma_wait3A_279 = tpu.memref_slice %arg4[%add3A_277, %dma_wait3A_278] : memref<106496x128xf32, #tpu.memory_space<hbm>> -> memref<128x128xf32, #tpu.memory_space<hbm>>
    %dma_wait3A_280 = arith.constant 0 : i32
    %dma_wait3A_281 = tpu.memref_slice %arg4[%add3A_277, %dma_wait3A_280] : memref<106496x128xf32, #tpu.memory_space<hbm>> -> memref<128x128xf32, #tpu.memory_space<hbm>>
    tpu.wait_dma2 semaphore(%arg15 : memref<!tpu.dma_semaphore, #tpu.memory_space<semaphore_mem>>) src(%arg7 : memref<128x128xf32, #tpu.memory_space<vmem>>) dst(%dma_wait3A_281 : memref<128x128xf32, #tpu.memory_space<hbm>>)
    %dma_start3A_282 = arith.constant 13 : i32
    %dma_start3A_283 = arith.constant 0 : i32
    %dma_start3A_284 = tpu.memref_slice %arg5[%dma_start3A_282, %dma_start3A_283] : memref<26x128xi32, #tpu.memory_space<vmem>> -> memref<1x128xi32, #tpu.memory_space<vmem>>
    %dma_start3A_285 = tpu.memref_squeeze %dma_start3A_284 : memref<1x128xi32, #tpu.memory_space<vmem>> -> memref<128xi32, #tpu.memory_space<vmem>>
    %dma_start3A_286 = arith.constant 0 : i32
    %dma_start3A_287 = arith.constant 0 : i32
    %dma_start3A_288 = tpu.memref_slice %arg2[%dma_start3A_286, %dma_start3A_287] : memref<100000x128xf32, #tpu.memory_space<hbm>> -> memref<100000x128xf32, #tpu.memory_space<hbm>>
    tpu.enqueue_indirect_dma source(%dma_start3A_288 : memref<100000x128xf32, #tpu.memory_space<hbm>>) target(%arg7 : memref<128x128xf32, #tpu.memory_space<vmem>>) offsets(%dma_start3A_285 : memref<128xi32, #tpu.memory_space<vmem>>) semaphore(%arg11 : memref<!tpu.dma_semaphore, #tpu.memory_space<semaphore_mem>>)
    %dma_wait3A_289 = arith.constant 10 : i32
    %dma_wait3A_290 = arith.constant 0 : i32
    %dma_wait3A_291 = tpu.memref_slice %arg5[%dma_wait3A_289, %dma_wait3A_290] : memref<26x128xi32, #tpu.memory_space<vmem>> -> memref<1x128xi32, #tpu.memory_space<vmem>>
    %dma_wait3A_292 = tpu.memref_squeeze %dma_wait3A_291 : memref<1x128xi32, #tpu.memory_space<vmem>> -> memref<128xi32, #tpu.memory_space<vmem>>
    %dma_wait3A_293 = arith.constant 0 : i32
    %dma_wait3A_294 = arith.constant 0 : i32
    %dma_wait3A_295 = tpu.memref_slice %arg2[%dma_wait3A_293, %dma_wait3A_294] : memref<100000x128xf32, #tpu.memory_space<hbm>> -> memref<100000x128xf32, #tpu.memory_space<hbm>>
    tpu.wait_indirect_dma semaphore(%arg12 : memref<!tpu.dma_semaphore, #tpu.memory_space<semaphore_mem>>) src(%dma_wait3A_295 : memref<100000x128xf32, #tpu.memory_space<hbm>>) dst(%arg8 : memref<128x128xf32, #tpu.memory_space<vmem>>)
    %add3A_296 = arith.constant 1280 : i32
    %add3A_297 = arith.addi %mul3A_2, %add3A_296 : i32
    %dma_start3A_298 = arith.constant 0 : i32
    %dma_start3A_299 = tpu.memref_slice %arg4[%add3A_297, %dma_start3A_298] : memref<106496x128xf32, #tpu.memory_space<hbm>> -> memref<128x128xf32, #tpu.memory_space<hbm>>
    %dma_start3A_300 = arith.constant 0 : i32
    %dma_start3A_301 = tpu.memref_slice %arg4[%add3A_297, %dma_start3A_300] : memref<106496x128xf32, #tpu.memory_space<hbm>> -> memref<128x128xf32, #tpu.memory_space<hbm>>
    tpu.enqueue_dma source(%arg8 : memref<128x128xf32, #tpu.memory_space<vmem>>) target(%dma_start3A_301 : memref<128x128xf32, #tpu.memory_space<hbm>>) target_semaphore(%arg16 : memref<!tpu.dma_semaphore, #tpu.memory_space<semaphore_mem>>)
    %add3A_302 = arith.constant 1280 : i32
    %add3A_303 = arith.addi %mul3A_2, %add3A_302 : i32
    %dma_wait3A_304 = arith.constant 0 : i32
    %dma_wait3A_305 = tpu.memref_slice %arg4[%add3A_303, %dma_wait3A_304] : memref<106496x128xf32, #tpu.memory_space<hbm>> -> memref<128x128xf32, #tpu.memory_space<hbm>>
    %dma_wait3A_306 = arith.constant 0 : i32
    %dma_wait3A_307 = tpu.memref_slice %arg4[%add3A_303, %dma_wait3A_306] : memref<106496x128xf32, #tpu.memory_space<hbm>> -> memref<128x128xf32, #tpu.memory_space<hbm>>
    tpu.wait_dma2 semaphore(%arg16 : memref<!tpu.dma_semaphore, #tpu.memory_space<semaphore_mem>>) src(%arg8 : memref<128x128xf32, #tpu.memory_space<vmem>>) dst(%dma_wait3A_307 : memref<128x128xf32, #tpu.memory_space<hbm>>)
    %dma_start3A_308 = arith.constant 14 : i32
    %dma_start3A_309 = arith.constant 0 : i32
    %dma_start3A_310 = tpu.memref_slice %arg5[%dma_start3A_308, %dma_start3A_309] : memref<26x128xi32, #tpu.memory_space<vmem>> -> memref<1x128xi32, #tpu.memory_space<vmem>>
    %dma_start3A_311 = tpu.memref_squeeze %dma_start3A_310 : memref<1x128xi32, #tpu.memory_space<vmem>> -> memref<128xi32, #tpu.memory_space<vmem>>
    %dma_start3A_312 = arith.constant 0 : i32
    %dma_start3A_313 = arith.constant 0 : i32
    %dma_start3A_314 = tpu.memref_slice %arg2[%dma_start3A_312, %dma_start3A_313] : memref<100000x128xf32, #tpu.memory_space<hbm>> -> memref<100000x128xf32, #tpu.memory_space<hbm>>
    tpu.enqueue_indirect_dma source(%dma_start3A_314 : memref<100000x128xf32, #tpu.memory_space<hbm>>) target(%arg8 : memref<128x128xf32, #tpu.memory_space<vmem>>) offsets(%dma_start3A_311 : memref<128xi32, #tpu.memory_space<vmem>>) semaphore(%arg12 : memref<!tpu.dma_semaphore, #tpu.memory_space<semaphore_mem>>)
    %dma_wait3A_315 = arith.constant 11 : i32
    %dma_wait3A_316 = arith.constant 0 : i32
    %dma_wait3A_317 = tpu.memref_slice %arg5[%dma_wait3A_315, %dma_wait3A_316] : memref<26x128xi32, #tpu.memory_space<vmem>> -> memref<1x128xi32, #tpu.memory_space<vmem>>
    %dma_wait3A_318 = tpu.memref_squeeze %dma_wait3A_317 : memref<1x128xi32, #tpu.memory_space<vmem>> -> memref<128xi32, #tpu.memory_space<vmem>>
    %dma_wait3A_319 = arith.constant 0 : i32
    %dma_wait3A_320 = arith.constant 0 : i32
    %dma_wait3A_321 = tpu.memref_slice %arg2[%dma_wait3A_319, %dma_wait3A_320] : memref<100000x128xf32, #tpu.memory_space<hbm>> -> memref<100000x128xf32, #tpu.memory_space<hbm>>
    tpu.wait_indirect_dma semaphore(%arg13 : memref<!tpu.dma_semaphore, #tpu.memory_space<semaphore_mem>>) src(%dma_wait3A_321 : memref<100000x128xf32, #tpu.memory_space<hbm>>) dst(%arg9 : memref<128x128xf32, #tpu.memory_space<vmem>>)
    %add3A_322 = arith.constant 1408 : i32
    %add3A_323 = arith.addi %mul3A_2, %add3A_322 : i32
    %dma_start3A_324 = arith.constant 0 : i32
    %dma_start3A_325 = tpu.memref_slice %arg4[%add3A_323, %dma_start3A_324] : memref<106496x128xf32, #tpu.memory_space<hbm>> -> memref<128x128xf32, #tpu.memory_space<hbm>>
    %dma_start3A_326 = arith.constant 0 : i32
    %dma_start3A_327 = tpu.memref_slice %arg4[%add3A_323, %dma_start3A_326] : memref<106496x128xf32, #tpu.memory_space<hbm>> -> memref<128x128xf32, #tpu.memory_space<hbm>>
    tpu.enqueue_dma source(%arg9 : memref<128x128xf32, #tpu.memory_space<vmem>>) target(%dma_start3A_327 : memref<128x128xf32, #tpu.memory_space<hbm>>) target_semaphore(%arg17 : memref<!tpu.dma_semaphore, #tpu.memory_space<semaphore_mem>>)
    %add3A_328 = arith.constant 1408 : i32
    %add3A_329 = arith.addi %mul3A_2, %add3A_328 : i32
    %dma_wait3A_330 = arith.constant 0 : i32
    %dma_wait3A_331 = tpu.memref_slice %arg4[%add3A_329, %dma_wait3A_330] : memref<106496x128xf32, #tpu.memory_space<hbm>> -> memref<128x128xf32, #tpu.memory_space<hbm>>
    %dma_wait3A_332 = arith.constant 0 : i32
    %dma_wait3A_333 = tpu.memref_slice %arg4[%add3A_329, %dma_wait3A_332] : memref<106496x128xf32, #tpu.memory_space<hbm>> -> memref<128x128xf32, #tpu.memory_space<hbm>>
    tpu.wait_dma2 semaphore(%arg17 : memref<!tpu.dma_semaphore, #tpu.memory_space<semaphore_mem>>) src(%arg9 : memref<128x128xf32, #tpu.memory_space<vmem>>) dst(%dma_wait3A_333 : memref<128x128xf32, #tpu.memory_space<hbm>>)
    %dma_start3A_334 = arith.constant 15 : i32
    %dma_start3A_335 = arith.constant 0 : i32
    %dma_start3A_336 = tpu.memref_slice %arg5[%dma_start3A_334, %dma_start3A_335] : memref<26x128xi32, #tpu.memory_space<vmem>> -> memref<1x128xi32, #tpu.memory_space<vmem>>
    %dma_start3A_337 = tpu.memref_squeeze %dma_start3A_336 : memref<1x128xi32, #tpu.memory_space<vmem>> -> memref<128xi32, #tpu.memory_space<vmem>>
    %dma_start3A_338 = arith.constant 0 : i32
    %dma_start3A_339 = arith.constant 0 : i32
    %dma_start3A_340 = tpu.memref_slice %arg2[%dma_start3A_338, %dma_start3A_339] : memref<100000x128xf32, #tpu.memory_space<hbm>> -> memref<100000x128xf32, #tpu.memory_space<hbm>>
    tpu.enqueue_indirect_dma source(%dma_start3A_340 : memref<100000x128xf32, #tpu.memory_space<hbm>>) target(%arg9 : memref<128x128xf32, #tpu.memory_space<vmem>>) offsets(%dma_start3A_337 : memref<128xi32, #tpu.memory_space<vmem>>) semaphore(%arg13 : memref<!tpu.dma_semaphore, #tpu.memory_space<semaphore_mem>>)
    %dma_wait3A_341 = arith.constant 12 : i32
    %dma_wait3A_342 = arith.constant 0 : i32
    %dma_wait3A_343 = tpu.memref_slice %arg5[%dma_wait3A_341, %dma_wait3A_342] : memref<26x128xi32, #tpu.memory_space<vmem>> -> memref<1x128xi32, #tpu.memory_space<vmem>>
    %dma_wait3A_344 = tpu.memref_squeeze %dma_wait3A_343 : memref<1x128xi32, #tpu.memory_space<vmem>> -> memref<128xi32, #tpu.memory_space<vmem>>
    %dma_wait3A_345 = arith.constant 0 : i32
    %dma_wait3A_346 = arith.constant 0 : i32
    %dma_wait3A_347 = tpu.memref_slice %arg2[%dma_wait3A_345, %dma_wait3A_346] : memref<100000x128xf32, #tpu.memory_space<hbm>> -> memref<100000x128xf32, #tpu.memory_space<hbm>>
    tpu.wait_indirect_dma semaphore(%arg10 : memref<!tpu.dma_semaphore, #tpu.memory_space<semaphore_mem>>) src(%dma_wait3A_347 : memref<100000x128xf32, #tpu.memory_space<hbm>>) dst(%arg6 : memref<128x128xf32, #tpu.memory_space<vmem>>)
    %add3A_348 = arith.constant 1536 : i32
    %add3A_349 = arith.addi %mul3A_2, %add3A_348 : i32
    %dma_start3A_350 = arith.constant 0 : i32
    %dma_start3A_351 = tpu.memref_slice %arg4[%add3A_349, %dma_start3A_350] : memref<106496x128xf32, #tpu.memory_space<hbm>> -> memref<128x128xf32, #tpu.memory_space<hbm>>
    %dma_start3A_352 = arith.constant 0 : i32
    %dma_start3A_353 = tpu.memref_slice %arg4[%add3A_349, %dma_start3A_352] : memref<106496x128xf32, #tpu.memory_space<hbm>> -> memref<128x128xf32, #tpu.memory_space<hbm>>
    tpu.enqueue_dma source(%arg6 : memref<128x128xf32, #tpu.memory_space<vmem>>) target(%dma_start3A_353 : memref<128x128xf32, #tpu.memory_space<hbm>>) target_semaphore(%arg14 : memref<!tpu.dma_semaphore, #tpu.memory_space<semaphore_mem>>)
    %add3A_354 = arith.constant 1536 : i32
    %add3A_355 = arith.addi %mul3A_2, %add3A_354 : i32
    %dma_wait3A_356 = arith.constant 0 : i32
    %dma_wait3A_357 = tpu.memref_slice %arg4[%add3A_355, %dma_wait3A_356] : memref<106496x128xf32, #tpu.memory_space<hbm>> -> memref<128x128xf32, #tpu.memory_space<hbm>>
    %dma_wait3A_358 = arith.constant 0 : i32
    %dma_wait3A_359 = tpu.memref_slice %arg4[%add3A_355, %dma_wait3A_358] : memref<106496x128xf32, #tpu.memory_space<hbm>> -> memref<128x128xf32, #tpu.memory_space<hbm>>
    tpu.wait_dma2 semaphore(%arg14 : memref<!tpu.dma_semaphore, #tpu.memory_space<semaphore_mem>>) src(%arg6 : memref<128x128xf32, #tpu.memory_space<vmem>>) dst(%dma_wait3A_359 : memref<128x128xf32, #tpu.memory_space<hbm>>)
    %dma_start3A_360 = arith.constant 16 : i32
    %dma_start3A_361 = arith.constant 0 : i32
    %dma_start3A_362 = tpu.memref_slice %arg5[%dma_start3A_360, %dma_start3A_361] : memref<26x128xi32, #tpu.memory_space<vmem>> -> memref<1x128xi32, #tpu.memory_space<vmem>>
    %dma_start3A_363 = tpu.memref_squeeze %dma_start3A_362 : memref<1x128xi32, #tpu.memory_space<vmem>> -> memref<128xi32, #tpu.memory_space<vmem>>
    %dma_start3A_364 = arith.constant 0 : i32
    %dma_start3A_365 = arith.constant 0 : i32
    %dma_start3A_366 = tpu.memref_slice %arg2[%dma_start3A_364, %dma_start3A_365] : memref<100000x128xf32, #tpu.memory_space<hbm>> -> memref<100000x128xf32, #tpu.memory_space<hbm>>
    tpu.enqueue_indirect_dma source(%dma_start3A_366 : memref<100000x128xf32, #tpu.memory_space<hbm>>) target(%arg6 : memref<128x128xf32, #tpu.memory_space<vmem>>) offsets(%dma_start3A_363 : memref<128xi32, #tpu.memory_space<vmem>>) semaphore(%arg10 : memref<!tpu.dma_semaphore, #tpu.memory_space<semaphore_mem>>)
    %dma_wait3A_367 = arith.constant 13 : i32
    %dma_wait3A_368 = arith.constant 0 : i32
    %dma_wait3A_369 = tpu.memref_slice %arg5[%dma_wait3A_367, %dma_wait3A_368] : memref<26x128xi32, #tpu.memory_space<vmem>> -> memref<1x128xi32, #tpu.memory_space<vmem>>
    %dma_wait3A_370 = tpu.memref_squeeze %dma_wait3A_369 : memref<1x128xi32, #tpu.memory_space<vmem>> -> memref<128xi32, #tpu.memory_space<vmem>>
    %dma_wait3A_371 = arith.constant 0 : i32
    %dma_wait3A_372 = arith.constant 0 : i32
    %dma_wait3A_373 = tpu.memref_slice %arg2[%dma_wait3A_371, %dma_wait3A_372] : memref<100000x128xf32, #tpu.memory_space<hbm>> -> memref<100000x128xf32, #tpu.memory_space<hbm>>
    tpu.wait_indirect_dma semaphore(%arg11 : memref<!tpu.dma_semaphore, #tpu.memory_space<semaphore_mem>>) src(%dma_wait3A_373 : memref<100000x128xf32, #tpu.memory_space<hbm>>) dst(%arg7 : memref<128x128xf32, #tpu.memory_space<vmem>>)
    %add3A_374 = arith.constant 1664 : i32
    %add3A_375 = arith.addi %mul3A_2, %add3A_374 : i32
    %dma_start3A_376 = arith.constant 0 : i32
    %dma_start3A_377 = tpu.memref_slice %arg4[%add3A_375, %dma_start3A_376] : memref<106496x128xf32, #tpu.memory_space<hbm>> -> memref<128x128xf32, #tpu.memory_space<hbm>>
    %dma_start3A_378 = arith.constant 0 : i32
    %dma_start3A_379 = tpu.memref_slice %arg4[%add3A_375, %dma_start3A_378] : memref<106496x128xf32, #tpu.memory_space<hbm>> -> memref<128x128xf32, #tpu.memory_space<hbm>>
    tpu.enqueue_dma source(%arg7 : memref<128x128xf32, #tpu.memory_space<vmem>>) target(%dma_start3A_379 : memref<128x128xf32, #tpu.memory_space<hbm>>) target_semaphore(%arg15 : memref<!tpu.dma_semaphore, #tpu.memory_space<semaphore_mem>>)
    %add3A_380 = arith.constant 1664 : i32
    %add3A_381 = arith.addi %mul3A_2, %add3A_380 : i32
    %dma_wait3A_382 = arith.constant 0 : i32
    %dma_wait3A_383 = tpu.memref_slice %arg4[%add3A_381, %dma_wait3A_382] : memref<106496x128xf32, #tpu.memory_space<hbm>> -> memref<128x128xf32, #tpu.memory_space<hbm>>
    %dma_wait3A_384 = arith.constant 0 : i32
    %dma_wait3A_385 = tpu.memref_slice %arg4[%add3A_381, %dma_wait3A_384] : memref<106496x128xf32, #tpu.memory_space<hbm>> -> memref<128x128xf32, #tpu.memory_space<hbm>>
    tpu.wait_dma2 semaphore(%arg15 : memref<!tpu.dma_semaphore, #tpu.memory_space<semaphore_mem>>) src(%arg7 : memref<128x128xf32, #tpu.memory_space<vmem>>) dst(%dma_wait3A_385 : memref<128x128xf32, #tpu.memory_space<hbm>>)
    %dma_start3A_386 = arith.constant 17 : i32
    %dma_start3A_387 = arith.constant 0 : i32
    %dma_start3A_388 = tpu.memref_slice %arg5[%dma_start3A_386, %dma_start3A_387] : memref<26x128xi32, #tpu.memory_space<vmem>> -> memref<1x128xi32, #tpu.memory_space<vmem>>
    %dma_start3A_389 = tpu.memref_squeeze %dma_start3A_388 : memref<1x128xi32, #tpu.memory_space<vmem>> -> memref<128xi32, #tpu.memory_space<vmem>>
    %dma_start3A_390 = arith.constant 0 : i32
    %dma_start3A_391 = arith.constant 0 : i32
    %dma_start3A_392 = tpu.memref_slice %arg2[%dma_start3A_390, %dma_start3A_391] : memref<100000x128xf32, #tpu.memory_space<hbm>> -> memref<100000x128xf32, #tpu.memory_space<hbm>>
    tpu.enqueue_indirect_dma source(%dma_start3A_392 : memref<100000x128xf32, #tpu.memory_space<hbm>>) target(%arg7 : memref<128x128xf32, #tpu.memory_space<vmem>>) offsets(%dma_start3A_389 : memref<128xi32, #tpu.memory_space<vmem>>) semaphore(%arg11 : memref<!tpu.dma_semaphore, #tpu.memory_space<semaphore_mem>>)
    %dma_wait3A_393 = arith.constant 14 : i32
    %dma_wait3A_394 = arith.constant 0 : i32
    %dma_wait3A_395 = tpu.memref_slice %arg5[%dma_wait3A_393, %dma_wait3A_394] : memref<26x128xi32, #tpu.memory_space<vmem>> -> memref<1x128xi32, #tpu.memory_space<vmem>>
    %dma_wait3A_396 = tpu.memref_squeeze %dma_wait3A_395 : memref<1x128xi32, #tpu.memory_space<vmem>> -> memref<128xi32, #tpu.memory_space<vmem>>
    %dma_wait3A_397 = arith.constant 0 : i32
    %dma_wait3A_398 = arith.constant 0 : i32
    %dma_wait3A_399 = tpu.memref_slice %arg2[%dma_wait3A_397, %dma_wait3A_398] : memref<100000x128xf32, #tpu.memory_space<hbm>> -> memref<100000x128xf32, #tpu.memory_space<hbm>>
    tpu.wait_indirect_dma semaphore(%arg12 : memref<!tpu.dma_semaphore, #tpu.memory_space<semaphore_mem>>) src(%dma_wait3A_399 : memref<100000x128xf32, #tpu.memory_space<hbm>>) dst(%arg8 : memref<128x128xf32, #tpu.memory_space<vmem>>)
    %add3A_400 = arith.constant 1792 : i32
    %add3A_401 = arith.addi %mul3A_2, %add3A_400 : i32
    %dma_start3A_402 = arith.constant 0 : i32
    %dma_start3A_403 = tpu.memref_slice %arg4[%add3A_401, %dma_start3A_402] : memref<106496x128xf32, #tpu.memory_space<hbm>> -> memref<128x128xf32, #tpu.memory_space<hbm>>
    %dma_start3A_404 = arith.constant 0 : i32
    %dma_start3A_405 = tpu.memref_slice %arg4[%add3A_401, %dma_start3A_404] : memref<106496x128xf32, #tpu.memory_space<hbm>> -> memref<128x128xf32, #tpu.memory_space<hbm>>
    tpu.enqueue_dma source(%arg8 : memref<128x128xf32, #tpu.memory_space<vmem>>) target(%dma_start3A_405 : memref<128x128xf32, #tpu.memory_space<hbm>>) target_semaphore(%arg16 : memref<!tpu.dma_semaphore, #tpu.memory_space<semaphore_mem>>)
    %add3A_406 = arith.constant 1792 : i32
    %add3A_407 = arith.addi %mul3A_2, %add3A_406 : i32
    %dma_wait3A_408 = arith.constant 0 : i32
    %dma_wait3A_409 = tpu.memref_slice %arg4[%add3A_407, %dma_wait3A_408] : memref<106496x128xf32, #tpu.memory_space<hbm>> -> memref<128x128xf32, #tpu.memory_space<hbm>>
    %dma_wait3A_410 = arith.constant 0 : i32
    %dma_wait3A_411 = tpu.memref_slice %arg4[%add3A_407, %dma_wait3A_410] : memref<106496x128xf32, #tpu.memory_space<hbm>> -> memref<128x128xf32, #tpu.memory_space<hbm>>
    tpu.wait_dma2 semaphore(%arg16 : memref<!tpu.dma_semaphore, #tpu.memory_space<semaphore_mem>>) src(%arg8 : memref<128x128xf32, #tpu.memory_space<vmem>>) dst(%dma_wait3A_411 : memref<128x128xf32, #tpu.memory_space<hbm>>)
    %dma_start3A_412 = arith.constant 18 : i32
    %dma_start3A_413 = arith.constant 0 : i32
    %dma_start3A_414 = tpu.memref_slice %arg5[%dma_start3A_412, %dma_start3A_413] : memref<26x128xi32, #tpu.memory_space<vmem>> -> memref<1x128xi32, #tpu.memory_space<vmem>>
    %dma_start3A_415 = tpu.memref_squeeze %dma_start3A_414 : memref<1x128xi32, #tpu.memory_space<vmem>> -> memref<128xi32, #tpu.memory_space<vmem>>
    %dma_start3A_416 = arith.constant 0 : i32
    %dma_start3A_417 = arith.constant 0 : i32
    %dma_start3A_418 = tpu.memref_slice %arg2[%dma_start3A_416, %dma_start3A_417] : memref<100000x128xf32, #tpu.memory_space<hbm>> -> memref<100000x128xf32, #tpu.memory_space<hbm>>
    tpu.enqueue_indirect_dma source(%dma_start3A_418 : memref<100000x128xf32, #tpu.memory_space<hbm>>) target(%arg8 : memref<128x128xf32, #tpu.memory_space<vmem>>) offsets(%dma_start3A_415 : memref<128xi32, #tpu.memory_space<vmem>>) semaphore(%arg12 : memref<!tpu.dma_semaphore, #tpu.memory_space<semaphore_mem>>)
    %dma_wait3A_419 = arith.constant 15 : i32
    %dma_wait3A_420 = arith.constant 0 : i32
    %dma_wait3A_421 = tpu.memref_slice %arg5[%dma_wait3A_419, %dma_wait3A_420] : memref<26x128xi32, #tpu.memory_space<vmem>> -> memref<1x128xi32, #tpu.memory_space<vmem>>
    %dma_wait3A_422 = tpu.memref_squeeze %dma_wait3A_421 : memref<1x128xi32, #tpu.memory_space<vmem>> -> memref<128xi32, #tpu.memory_space<vmem>>
    %dma_wait3A_423 = arith.constant 0 : i32
    %dma_wait3A_424 = arith.constant 0 : i32
    %dma_wait3A_425 = tpu.memref_slice %arg2[%dma_wait3A_423, %dma_wait3A_424] : memref<100000x128xf32, #tpu.memory_space<hbm>> -> memref<100000x128xf32, #tpu.memory_space<hbm>>
    tpu.wait_indirect_dma semaphore(%arg13 : memref<!tpu.dma_semaphore, #tpu.memory_space<semaphore_mem>>) src(%dma_wait3A_425 : memref<100000x128xf32, #tpu.memory_space<hbm>>) dst(%arg9 : memref<128x128xf32, #tpu.memory_space<vmem>>)
    %add3A_426 = arith.constant 1920 : i32
    %add3A_427 = arith.addi %mul3A_2, %add3A_426 : i32
    %dma_start3A_428 = arith.constant 0 : i32
    %dma_start3A_429 = tpu.memref_slice %arg4[%add3A_427, %dma_start3A_428] : memref<106496x128xf32, #tpu.memory_space<hbm>> -> memref<128x128xf32, #tpu.memory_space<hbm>>
    %dma_start3A_430 = arith.constant 0 : i32
    %dma_start3A_431 = tpu.memref_slice %arg4[%add3A_427, %dma_start3A_430] : memref<106496x128xf32, #tpu.memory_space<hbm>> -> memref<128x128xf32, #tpu.memory_space<hbm>>
    tpu.enqueue_dma source(%arg9 : memref<128x128xf32, #tpu.memory_space<vmem>>) target(%dma_start3A_431 : memref<128x128xf32, #tpu.memory_space<hbm>>) target_semaphore(%arg17 : memref<!tpu.dma_semaphore, #tpu.memory_space<semaphore_mem>>)
    %add3A_432 = arith.constant 1920 : i32
    %add3A_433 = arith.addi %mul3A_2, %add3A_432 : i32
    %dma_wait3A_434 = arith.constant 0 : i32
    %dma_wait3A_435 = tpu.memref_slice %arg4[%add3A_433, %dma_wait3A_434] : memref<106496x128xf32, #tpu.memory_space<hbm>> -> memref<128x128xf32, #tpu.memory_space<hbm>>
    %dma_wait3A_436 = arith.constant 0 : i32
    %dma_wait3A_437 = tpu.memref_slice %arg4[%add3A_433, %dma_wait3A_436] : memref<106496x128xf32, #tpu.memory_space<hbm>> -> memref<128x128xf32, #tpu.memory_space<hbm>>
    tpu.wait_dma2 semaphore(%arg17 : memref<!tpu.dma_semaphore, #tpu.memory_space<semaphore_mem>>) src(%arg9 : memref<128x128xf32, #tpu.memory_space<vmem>>) dst(%dma_wait3A_437 : memref<128x128xf32, #tpu.memory_space<hbm>>)
    %dma_start3A_438 = arith.constant 19 : i32
    %dma_start3A_439 = arith.constant 0 : i32
    %dma_start3A_440 = tpu.memref_slice %arg5[%dma_start3A_438, %dma_start3A_439] : memref<26x128xi32, #tpu.memory_space<vmem>> -> memref<1x128xi32, #tpu.memory_space<vmem>>
    %dma_start3A_441 = tpu.memref_squeeze %dma_start3A_440 : memref<1x128xi32, #tpu.memory_space<vmem>> -> memref<128xi32, #tpu.memory_space<vmem>>
    %dma_start3A_442 = arith.constant 0 : i32
    %dma_start3A_443 = arith.constant 0 : i32
    %dma_start3A_444 = tpu.memref_slice %arg2[%dma_start3A_442, %dma_start3A_443] : memref<100000x128xf32, #tpu.memory_space<hbm>> -> memref<100000x128xf32, #tpu.memory_space<hbm>>
    tpu.enqueue_indirect_dma source(%dma_start3A_444 : memref<100000x128xf32, #tpu.memory_space<hbm>>) target(%arg9 : memref<128x128xf32, #tpu.memory_space<vmem>>) offsets(%dma_start3A_441 : memref<128xi32, #tpu.memory_space<vmem>>) semaphore(%arg13 : memref<!tpu.dma_semaphore, #tpu.memory_space<semaphore_mem>>)
    %dma_wait3A_445 = arith.constant 16 : i32
    %dma_wait3A_446 = arith.constant 0 : i32
    %dma_wait3A_447 = tpu.memref_slice %arg5[%dma_wait3A_445, %dma_wait3A_446] : memref<26x128xi32, #tpu.memory_space<vmem>> -> memref<1x128xi32, #tpu.memory_space<vmem>>
    %dma_wait3A_448 = tpu.memref_squeeze %dma_wait3A_447 : memref<1x128xi32, #tpu.memory_space<vmem>> -> memref<128xi32, #tpu.memory_space<vmem>>
    %dma_wait3A_449 = arith.constant 0 : i32
    %dma_wait3A_450 = arith.constant 0 : i32
    %dma_wait3A_451 = tpu.memref_slice %arg2[%dma_wait3A_449, %dma_wait3A_450] : memref<100000x128xf32, #tpu.memory_space<hbm>> -> memref<100000x128xf32, #tpu.memory_space<hbm>>
    tpu.wait_indirect_dma semaphore(%arg10 : memref<!tpu.dma_semaphore, #tpu.memory_space<semaphore_mem>>) src(%dma_wait3A_451 : memref<100000x128xf32, #tpu.memory_space<hbm>>) dst(%arg6 : memref<128x128xf32, #tpu.memory_space<vmem>>)
    %add3A_452 = arith.constant 2048 : i32
    %add3A_453 = arith.addi %mul3A_2, %add3A_452 : i32
    %dma_start3A_454 = arith.constant 0 : i32
    %dma_start3A_455 = tpu.memref_slice %arg4[%add3A_453, %dma_start3A_454] : memref<106496x128xf32, #tpu.memory_space<hbm>> -> memref<128x128xf32, #tpu.memory_space<hbm>>
    %dma_start3A_456 = arith.constant 0 : i32
    %dma_start3A_457 = tpu.memref_slice %arg4[%add3A_453, %dma_start3A_456] : memref<106496x128xf32, #tpu.memory_space<hbm>> -> memref<128x128xf32, #tpu.memory_space<hbm>>
    tpu.enqueue_dma source(%arg6 : memref<128x128xf32, #tpu.memory_space<vmem>>) target(%dma_start3A_457 : memref<128x128xf32, #tpu.memory_space<hbm>>) target_semaphore(%arg14 : memref<!tpu.dma_semaphore, #tpu.memory_space<semaphore_mem>>)
    %add3A_458 = arith.constant 2048 : i32
    %add3A_459 = arith.addi %mul3A_2, %add3A_458 : i32
    %dma_wait3A_460 = arith.constant 0 : i32
    %dma_wait3A_461 = tpu.memref_slice %arg4[%add3A_459, %dma_wait3A_460] : memref<106496x128xf32, #tpu.memory_space<hbm>> -> memref<128x128xf32, #tpu.memory_space<hbm>>
    %dma_wait3A_462 = arith.constant 0 : i32
    %dma_wait3A_463 = tpu.memref_slice %arg4[%add3A_459, %dma_wait3A_462] : memref<106496x128xf32, #tpu.memory_space<hbm>> -> memref<128x128xf32, #tpu.memory_space<hbm>>
    tpu.wait_dma2 semaphore(%arg14 : memref<!tpu.dma_semaphore, #tpu.memory_space<semaphore_mem>>) src(%arg6 : memref<128x128xf32, #tpu.memory_space<vmem>>) dst(%dma_wait3A_463 : memref<128x128xf32, #tpu.memory_space<hbm>>)
    %dma_start3A_464 = arith.constant 20 : i32
    %dma_start3A_465 = arith.constant 0 : i32
    %dma_start3A_466 = tpu.memref_slice %arg5[%dma_start3A_464, %dma_start3A_465] : memref<26x128xi32, #tpu.memory_space<vmem>> -> memref<1x128xi32, #tpu.memory_space<vmem>>
    %dma_start3A_467 = tpu.memref_squeeze %dma_start3A_466 : memref<1x128xi32, #tpu.memory_space<vmem>> -> memref<128xi32, #tpu.memory_space<vmem>>
    %dma_start3A_468 = arith.constant 0 : i32
    %dma_start3A_469 = arith.constant 0 : i32
    %dma_start3A_470 = tpu.memref_slice %arg2[%dma_start3A_468, %dma_start3A_469] : memref<100000x128xf32, #tpu.memory_space<hbm>> -> memref<100000x128xf32, #tpu.memory_space<hbm>>
    tpu.enqueue_indirect_dma source(%dma_start3A_470 : memref<100000x128xf32, #tpu.memory_space<hbm>>) target(%arg6 : memref<128x128xf32, #tpu.memory_space<vmem>>) offsets(%dma_start3A_467 : memref<128xi32, #tpu.memory_space<vmem>>) semaphore(%arg10 : memref<!tpu.dma_semaphore, #tpu.memory_space<semaphore_mem>>)
    %dma_wait3A_471 = arith.constant 17 : i32
    %dma_wait3A_472 = arith.constant 0 : i32
    %dma_wait3A_473 = tpu.memref_slice %arg5[%dma_wait3A_471, %dma_wait3A_472] : memref<26x128xi32, #tpu.memory_space<vmem>> -> memref<1x128xi32, #tpu.memory_space<vmem>>
    %dma_wait3A_474 = tpu.memref_squeeze %dma_wait3A_473 : memref<1x128xi32, #tpu.memory_space<vmem>> -> memref<128xi32, #tpu.memory_space<vmem>>
    %dma_wait3A_475 = arith.constant 0 : i32
    %dma_wait3A_476 = arith.constant 0 : i32
    %dma_wait3A_477 = tpu.memref_slice %arg2[%dma_wait3A_475, %dma_wait3A_476] : memref<100000x128xf32, #tpu.memory_space<hbm>> -> memref<100000x128xf32, #tpu.memory_space<hbm>>
    tpu.wait_indirect_dma semaphore(%arg11 : memref<!tpu.dma_semaphore, #tpu.memory_space<semaphore_mem>>) src(%dma_wait3A_477 : memref<100000x128xf32, #tpu.memory_space<hbm>>) dst(%arg7 : memref<128x128xf32, #tpu.memory_space<vmem>>)
    %add3A_478 = arith.constant 2176 : i32
    %add3A_479 = arith.addi %mul3A_2, %add3A_478 : i32
    %dma_start3A_480 = arith.constant 0 : i32
    %dma_start3A_481 = tpu.memref_slice %arg4[%add3A_479, %dma_start3A_480] : memref<106496x128xf32, #tpu.memory_space<hbm>> -> memref<128x128xf32, #tpu.memory_space<hbm>>
    %dma_start3A_482 = arith.constant 0 : i32
    %dma_start3A_483 = tpu.memref_slice %arg4[%add3A_479, %dma_start3A_482] : memref<106496x128xf32, #tpu.memory_space<hbm>> -> memref<128x128xf32, #tpu.memory_space<hbm>>
    tpu.enqueue_dma source(%arg7 : memref<128x128xf32, #tpu.memory_space<vmem>>) target(%dma_start3A_483 : memref<128x128xf32, #tpu.memory_space<hbm>>) target_semaphore(%arg15 : memref<!tpu.dma_semaphore, #tpu.memory_space<semaphore_mem>>)
    %add3A_484 = arith.constant 2176 : i32
    %add3A_485 = arith.addi %mul3A_2, %add3A_484 : i32
    %dma_wait3A_486 = arith.constant 0 : i32
    %dma_wait3A_487 = tpu.memref_slice %arg4[%add3A_485, %dma_wait3A_486] : memref<106496x128xf32, #tpu.memory_space<hbm>> -> memref<128x128xf32, #tpu.memory_space<hbm>>
    %dma_wait3A_488 = arith.constant 0 : i32
    %dma_wait3A_489 = tpu.memref_slice %arg4[%add3A_485, %dma_wait3A_488] : memref<106496x128xf32, #tpu.memory_space<hbm>> -> memref<128x128xf32, #tpu.memory_space<hbm>>
    tpu.wait_dma2 semaphore(%arg15 : memref<!tpu.dma_semaphore, #tpu.memory_space<semaphore_mem>>) src(%arg7 : memref<128x128xf32, #tpu.memory_space<vmem>>) dst(%dma_wait3A_489 : memref<128x128xf32, #tpu.memory_space<hbm>>)
    %dma_start3A_490 = arith.constant 21 : i32
    %dma_start3A_491 = arith.constant 0 : i32
    %dma_start3A_492 = tpu.memref_slice %arg5[%dma_start3A_490, %dma_start3A_491] : memref<26x128xi32, #tpu.memory_space<vmem>> -> memref<1x128xi32, #tpu.memory_space<vmem>>
    %dma_start3A_493 = tpu.memref_squeeze %dma_start3A_492 : memref<1x128xi32, #tpu.memory_space<vmem>> -> memref<128xi32, #tpu.memory_space<vmem>>
    %dma_start3A_494 = arith.constant 0 : i32
    %dma_start3A_495 = arith.constant 0 : i32
    %dma_start3A_496 = tpu.memref_slice %arg2[%dma_start3A_494, %dma_start3A_495] : memref<100000x128xf32, #tpu.memory_space<hbm>> -> memref<100000x128xf32, #tpu.memory_space<hbm>>
    tpu.enqueue_indirect_dma source(%dma_start3A_496 : memref<100000x128xf32, #tpu.memory_space<hbm>>) target(%arg7 : memref<128x128xf32, #tpu.memory_space<vmem>>) offsets(%dma_start3A_493 : memref<128xi32, #tpu.memory_space<vmem>>) semaphore(%arg11 : memref<!tpu.dma_semaphore, #tpu.memory_space<semaphore_mem>>)
    %dma_wait3A_497 = arith.constant 18 : i32
    %dma_wait3A_498 = arith.constant 0 : i32
    %dma_wait3A_499 = tpu.memref_slice %arg5[%dma_wait3A_497, %dma_wait3A_498] : memref<26x128xi32, #tpu.memory_space<vmem>> -> memref<1x128xi32, #tpu.memory_space<vmem>>
    %dma_wait3A_500 = tpu.memref_squeeze %dma_wait3A_499 : memref<1x128xi32, #tpu.memory_space<vmem>> -> memref<128xi32, #tpu.memory_space<vmem>>
    %dma_wait3A_501 = arith.constant 0 : i32
    %dma_wait3A_502 = arith.constant 0 : i32
    %dma_wait3A_503 = tpu.memref_slice %arg2[%dma_wait3A_501, %dma_wait3A_502] : memref<100000x128xf32, #tpu.memory_space<hbm>> -> memref<100000x128xf32, #tpu.memory_space<hbm>>
    tpu.wait_indirect_dma semaphore(%arg12 : memref<!tpu.dma_semaphore, #tpu.memory_space<semaphore_mem>>) src(%dma_wait3A_503 : memref<100000x128xf32, #tpu.memory_space<hbm>>) dst(%arg8 : memref<128x128xf32, #tpu.memory_space<vmem>>)
    %add3A_504 = arith.constant 2304 : i32
    %add3A_505 = arith.addi %mul3A_2, %add3A_504 : i32
    %dma_start3A_506 = arith.constant 0 : i32
    %dma_start3A_507 = tpu.memref_slice %arg4[%add3A_505, %dma_start3A_506] : memref<106496x128xf32, #tpu.memory_space<hbm>> -> memref<128x128xf32, #tpu.memory_space<hbm>>
    %dma_start3A_508 = arith.constant 0 : i32
    %dma_start3A_509 = tpu.memref_slice %arg4[%add3A_505, %dma_start3A_508] : memref<106496x128xf32, #tpu.memory_space<hbm>> -> memref<128x128xf32, #tpu.memory_space<hbm>>
    tpu.enqueue_dma source(%arg8 : memref<128x128xf32, #tpu.memory_space<vmem>>) target(%dma_start3A_509 : memref<128x128xf32, #tpu.memory_space<hbm>>) target_semaphore(%arg16 : memref<!tpu.dma_semaphore, #tpu.memory_space<semaphore_mem>>)
    %add3A_510 = arith.constant 2304 : i32
    %add3A_511 = arith.addi %mul3A_2, %add3A_510 : i32
    %dma_wait3A_512 = arith.constant 0 : i32
    %dma_wait3A_513 = tpu.memref_slice %arg4[%add3A_511, %dma_wait3A_512] : memref<106496x128xf32, #tpu.memory_space<hbm>> -> memref<128x128xf32, #tpu.memory_space<hbm>>
    %dma_wait3A_514 = arith.constant 0 : i32
    %dma_wait3A_515 = tpu.memref_slice %arg4[%add3A_511, %dma_wait3A_514] : memref<106496x128xf32, #tpu.memory_space<hbm>> -> memref<128x128xf32, #tpu.memory_space<hbm>>
    tpu.wait_dma2 semaphore(%arg16 : memref<!tpu.dma_semaphore, #tpu.memory_space<semaphore_mem>>) src(%arg8 : memref<128x128xf32, #tpu.memory_space<vmem>>) dst(%dma_wait3A_515 : memref<128x128xf32, #tpu.memory_space<hbm>>)
    %dma_start3A_516 = arith.constant 22 : i32
    %dma_start3A_517 = arith.constant 0 : i32
    %dma_start3A_518 = tpu.memref_slice %arg5[%dma_start3A_516, %dma_start3A_517] : memref<26x128xi32, #tpu.memory_space<vmem>> -> memref<1x128xi32, #tpu.memory_space<vmem>>
    %dma_start3A_519 = tpu.memref_squeeze %dma_start3A_518 : memref<1x128xi32, #tpu.memory_space<vmem>> -> memref<128xi32, #tpu.memory_space<vmem>>
    %dma_start3A_520 = arith.constant 0 : i32
    %dma_start3A_521 = arith.constant 0 : i32
    %dma_start3A_522 = tpu.memref_slice %arg2[%dma_start3A_520, %dma_start3A_521] : memref<100000x128xf32, #tpu.memory_space<hbm>> -> memref<100000x128xf32, #tpu.memory_space<hbm>>
    tpu.enqueue_indirect_dma source(%dma_start3A_522 : memref<100000x128xf32, #tpu.memory_space<hbm>>) target(%arg8 : memref<128x128xf32, #tpu.memory_space<vmem>>) offsets(%dma_start3A_519 : memref<128xi32, #tpu.memory_space<vmem>>) semaphore(%arg12 : memref<!tpu.dma_semaphore, #tpu.memory_space<semaphore_mem>>)
    %dma_wait3A_523 = arith.constant 19 : i32
    %dma_wait3A_524 = arith.constant 0 : i32
    %dma_wait3A_525 = tpu.memref_slice %arg5[%dma_wait3A_523, %dma_wait3A_524] : memref<26x128xi32, #tpu.memory_space<vmem>> -> memref<1x128xi32, #tpu.memory_space<vmem>>
    %dma_wait3A_526 = tpu.memref_squeeze %dma_wait3A_525 : memref<1x128xi32, #tpu.memory_space<vmem>> -> memref<128xi32, #tpu.memory_space<vmem>>
    %dma_wait3A_527 = arith.constant 0 : i32
    %dma_wait3A_528 = arith.constant 0 : i32
    %dma_wait3A_529 = tpu.memref_slice %arg2[%dma_wait3A_527, %dma_wait3A_528] : memref<100000x128xf32, #tpu.memory_space<hbm>> -> memref<100000x128xf32, #tpu.memory_space<hbm>>
    tpu.wait_indirect_dma semaphore(%arg13 : memref<!tpu.dma_semaphore, #tpu.memory_space<semaphore_mem>>) src(%dma_wait3A_529 : memref<100000x128xf32, #tpu.memory_space<hbm>>) dst(%arg9 : memref<128x128xf32, #tpu.memory_space<vmem>>)
    %add3A_530 = arith.constant 2432 : i32
    %add3A_531 = arith.addi %mul3A_2, %add3A_530 : i32
    %dma_start3A_532 = arith.constant 0 : i32
    %dma_start3A_533 = tpu.memref_slice %arg4[%add3A_531, %dma_start3A_532] : memref<106496x128xf32, #tpu.memory_space<hbm>> -> memref<128x128xf32, #tpu.memory_space<hbm>>
    %dma_start3A_534 = arith.constant 0 : i32
    %dma_start3A_535 = tpu.memref_slice %arg4[%add3A_531, %dma_start3A_534] : memref<106496x128xf32, #tpu.memory_space<hbm>> -> memref<128x128xf32, #tpu.memory_space<hbm>>
    tpu.enqueue_dma source(%arg9 : memref<128x128xf32, #tpu.memory_space<vmem>>) target(%dma_start3A_535 : memref<128x128xf32, #tpu.memory_space<hbm>>) target_semaphore(%arg17 : memref<!tpu.dma_semaphore, #tpu.memory_space<semaphore_mem>>)
    %add3A_536 = arith.constant 2432 : i32
    %add3A_537 = arith.addi %mul3A_2, %add3A_536 : i32
    %dma_wait3A_538 = arith.constant 0 : i32
    %dma_wait3A_539 = tpu.memref_slice %arg4[%add3A_537, %dma_wait3A_538] : memref<106496x128xf32, #tpu.memory_space<hbm>> -> memref<128x128xf32, #tpu.memory_space<hbm>>
    %dma_wait3A_540 = arith.constant 0 : i32
    %dma_wait3A_541 = tpu.memref_slice %arg4[%add3A_537, %dma_wait3A_540] : memref<106496x128xf32, #tpu.memory_space<hbm>> -> memref<128x128xf32, #tpu.memory_space<hbm>>
    tpu.wait_dma2 semaphore(%arg17 : memref<!tpu.dma_semaphore, #tpu.memory_space<semaphore_mem>>) src(%arg9 : memref<128x128xf32, #tpu.memory_space<vmem>>) dst(%dma_wait3A_541 : memref<128x128xf32, #tpu.memory_space<hbm>>)
    %dma_start3A_542 = arith.constant 23 : i32
    %dma_start3A_543 = arith.constant 0 : i32
    %dma_start3A_544 = tpu.memref_slice %arg5[%dma_start3A_542, %dma_start3A_543] : memref<26x128xi32, #tpu.memory_space<vmem>> -> memref<1x128xi32, #tpu.memory_space<vmem>>
    %dma_start3A_545 = tpu.memref_squeeze %dma_start3A_544 : memref<1x128xi32, #tpu.memory_space<vmem>> -> memref<128xi32, #tpu.memory_space<vmem>>
    %dma_start3A_546 = arith.constant 0 : i32
    %dma_start3A_547 = arith.constant 0 : i32
    %dma_start3A_548 = tpu.memref_slice %arg2[%dma_start3A_546, %dma_start3A_547] : memref<100000x128xf32, #tpu.memory_space<hbm>> -> memref<100000x128xf32, #tpu.memory_space<hbm>>
    tpu.enqueue_indirect_dma source(%dma_start3A_548 : memref<100000x128xf32, #tpu.memory_space<hbm>>) target(%arg9 : memref<128x128xf32, #tpu.memory_space<vmem>>) offsets(%dma_start3A_545 : memref<128xi32, #tpu.memory_space<vmem>>) semaphore(%arg13 : memref<!tpu.dma_semaphore, #tpu.memory_space<semaphore_mem>>)
    %dma_wait3A_549 = arith.constant 20 : i32
    %dma_wait3A_550 = arith.constant 0 : i32
    %dma_wait3A_551 = tpu.memref_slice %arg5[%dma_wait3A_549, %dma_wait3A_550] : memref<26x128xi32, #tpu.memory_space<vmem>> -> memref<1x128xi32, #tpu.memory_space<vmem>>
    %dma_wait3A_552 = tpu.memref_squeeze %dma_wait3A_551 : memref<1x128xi32, #tpu.memory_space<vmem>> -> memref<128xi32, #tpu.memory_space<vmem>>
    %dma_wait3A_553 = arith.constant 0 : i32
    %dma_wait3A_554 = arith.constant 0 : i32
    %dma_wait3A_555 = tpu.memref_slice %arg2[%dma_wait3A_553, %dma_wait3A_554] : memref<100000x128xf32, #tpu.memory_space<hbm>> -> memref<100000x128xf32, #tpu.memory_space<hbm>>
    tpu.wait_indirect_dma semaphore(%arg10 : memref<!tpu.dma_semaphore, #tpu.memory_space<semaphore_mem>>) src(%dma_wait3A_555 : memref<100000x128xf32, #tpu.memory_space<hbm>>) dst(%arg6 : memref<128x128xf32, #tpu.memory_space<vmem>>)
    %add3A_556 = arith.constant 2560 : i32
    %add3A_557 = arith.addi %mul3A_2, %add3A_556 : i32
    %dma_start3A_558 = arith.constant 0 : i32
    %dma_start3A_559 = tpu.memref_slice %arg4[%add3A_557, %dma_start3A_558] : memref<106496x128xf32, #tpu.memory_space<hbm>> -> memref<128x128xf32, #tpu.memory_space<hbm>>
    %dma_start3A_560 = arith.constant 0 : i32
    %dma_start3A_561 = tpu.memref_slice %arg4[%add3A_557, %dma_start3A_560] : memref<106496x128xf32, #tpu.memory_space<hbm>> -> memref<128x128xf32, #tpu.memory_space<hbm>>
    tpu.enqueue_dma source(%arg6 : memref<128x128xf32, #tpu.memory_space<vmem>>) target(%dma_start3A_561 : memref<128x128xf32, #tpu.memory_space<hbm>>) target_semaphore(%arg14 : memref<!tpu.dma_semaphore, #tpu.memory_space<semaphore_mem>>)
    %add3A_562 = arith.constant 2560 : i32
    %add3A_563 = arith.addi %mul3A_2, %add3A_562 : i32
    %dma_wait3A_564 = arith.constant 0 : i32
    %dma_wait3A_565 = tpu.memref_slice %arg4[%add3A_563, %dma_wait3A_564] : memref<106496x128xf32, #tpu.memory_space<hbm>> -> memref<128x128xf32, #tpu.memory_space<hbm>>
    %dma_wait3A_566 = arith.constant 0 : i32
    %dma_wait3A_567 = tpu.memref_slice %arg4[%add3A_563, %dma_wait3A_566] : memref<106496x128xf32, #tpu.memory_space<hbm>> -> memref<128x128xf32, #tpu.memory_space<hbm>>
    tpu.wait_dma2 semaphore(%arg14 : memref<!tpu.dma_semaphore, #tpu.memory_space<semaphore_mem>>) src(%arg6 : memref<128x128xf32, #tpu.memory_space<vmem>>) dst(%dma_wait3A_567 : memref<128x128xf32, #tpu.memory_space<hbm>>)
    %dma_start3A_568 = arith.constant 24 : i32
    %dma_start3A_569 = arith.constant 0 : i32
    %dma_start3A_570 = tpu.memref_slice %arg5[%dma_start3A_568, %dma_start3A_569] : memref<26x128xi32, #tpu.memory_space<vmem>> -> memref<1x128xi32, #tpu.memory_space<vmem>>
    %dma_start3A_571 = tpu.memref_squeeze %dma_start3A_570 : memref<1x128xi32, #tpu.memory_space<vmem>> -> memref<128xi32, #tpu.memory_space<vmem>>
    %dma_start3A_572 = arith.constant 0 : i32
    %dma_start3A_573 = arith.constant 0 : i32
    %dma_start3A_574 = tpu.memref_slice %arg2[%dma_start3A_572, %dma_start3A_573] : memref<100000x128xf32, #tpu.memory_space<hbm>> -> memref<100000x128xf32, #tpu.memory_space<hbm>>
    tpu.enqueue_indirect_dma source(%dma_start3A_574 : memref<100000x128xf32, #tpu.memory_space<hbm>>) target(%arg6 : memref<128x128xf32, #tpu.memory_space<vmem>>) offsets(%dma_start3A_571 : memref<128xi32, #tpu.memory_space<vmem>>) semaphore(%arg10 : memref<!tpu.dma_semaphore, #tpu.memory_space<semaphore_mem>>)
    %dma_wait3A_575 = arith.constant 21 : i32
    %dma_wait3A_576 = arith.constant 0 : i32
    %dma_wait3A_577 = tpu.memref_slice %arg5[%dma_wait3A_575, %dma_wait3A_576] : memref<26x128xi32, #tpu.memory_space<vmem>> -> memref<1x128xi32, #tpu.memory_space<vmem>>
    %dma_wait3A_578 = tpu.memref_squeeze %dma_wait3A_577 : memref<1x128xi32, #tpu.memory_space<vmem>> -> memref<128xi32, #tpu.memory_space<vmem>>
    %dma_wait3A_579 = arith.constant 0 : i32
    %dma_wait3A_580 = arith.constant 0 : i32
    %dma_wait3A_581 = tpu.memref_slice %arg2[%dma_wait3A_579, %dma_wait3A_580] : memref<100000x128xf32, #tpu.memory_space<hbm>> -> memref<100000x128xf32, #tpu.memory_space<hbm>>
    tpu.wait_indirect_dma semaphore(%arg11 : memref<!tpu.dma_semaphore, #tpu.memory_space<semaphore_mem>>) src(%dma_wait3A_581 : memref<100000x128xf32, #tpu.memory_space<hbm>>) dst(%arg7 : memref<128x128xf32, #tpu.memory_space<vmem>>)
    %add3A_582 = arith.constant 2688 : i32
    %add3A_583 = arith.addi %mul3A_2, %add3A_582 : i32
    %dma_start3A_584 = arith.constant 0 : i32
    %dma_start3A_585 = tpu.memref_slice %arg4[%add3A_583, %dma_start3A_584] : memref<106496x128xf32, #tpu.memory_space<hbm>> -> memref<128x128xf32, #tpu.memory_space<hbm>>
    %dma_start3A_586 = arith.constant 0 : i32
    %dma_start3A_587 = tpu.memref_slice %arg4[%add3A_583, %dma_start3A_586] : memref<106496x128xf32, #tpu.memory_space<hbm>> -> memref<128x128xf32, #tpu.memory_space<hbm>>
    tpu.enqueue_dma source(%arg7 : memref<128x128xf32, #tpu.memory_space<vmem>>) target(%dma_start3A_587 : memref<128x128xf32, #tpu.memory_space<hbm>>) target_semaphore(%arg15 : memref<!tpu.dma_semaphore, #tpu.memory_space<semaphore_mem>>)
    %add3A_588 = arith.constant 2688 : i32
    %add3A_589 = arith.addi %mul3A_2, %add3A_588 : i32
    %dma_wait3A_590 = arith.constant 0 : i32
    %dma_wait3A_591 = tpu.memref_slice %arg4[%add3A_589, %dma_wait3A_590] : memref<106496x128xf32, #tpu.memory_space<hbm>> -> memref<128x128xf32, #tpu.memory_space<hbm>>
    %dma_wait3A_592 = arith.constant 0 : i32
    %dma_wait3A_593 = tpu.memref_slice %arg4[%add3A_589, %dma_wait3A_592] : memref<106496x128xf32, #tpu.memory_space<hbm>> -> memref<128x128xf32, #tpu.memory_space<hbm>>
    tpu.wait_dma2 semaphore(%arg15 : memref<!tpu.dma_semaphore, #tpu.memory_space<semaphore_mem>>) src(%arg7 : memref<128x128xf32, #tpu.memory_space<vmem>>) dst(%dma_wait3A_593 : memref<128x128xf32, #tpu.memory_space<hbm>>)
    %dma_start3A_594 = arith.constant 25 : i32
    %dma_start3A_595 = arith.constant 0 : i32
    %dma_start3A_596 = tpu.memref_slice %arg5[%dma_start3A_594, %dma_start3A_595] : memref<26x128xi32, #tpu.memory_space<vmem>> -> memref<1x128xi32, #tpu.memory_space<vmem>>
    %dma_start3A_597 = tpu.memref_squeeze %dma_start3A_596 : memref<1x128xi32, #tpu.memory_space<vmem>> -> memref<128xi32, #tpu.memory_space<vmem>>
    %dma_start3A_598 = arith.constant 0 : i32
    %dma_start3A_599 = arith.constant 0 : i32
    %dma_start3A_600 = tpu.memref_slice %arg2[%dma_start3A_598, %dma_start3A_599] : memref<100000x128xf32, #tpu.memory_space<hbm>> -> memref<100000x128xf32, #tpu.memory_space<hbm>>
    tpu.enqueue_indirect_dma source(%dma_start3A_600 : memref<100000x128xf32, #tpu.memory_space<hbm>>) target(%arg7 : memref<128x128xf32, #tpu.memory_space<vmem>>) offsets(%dma_start3A_597 : memref<128xi32, #tpu.memory_space<vmem>>) semaphore(%arg11 : memref<!tpu.dma_semaphore, #tpu.memory_space<semaphore_mem>>)
    %dma_wait3A_601 = arith.constant 22 : i32
    %dma_wait3A_602 = arith.constant 0 : i32
    %dma_wait3A_603 = tpu.memref_slice %arg5[%dma_wait3A_601, %dma_wait3A_602] : memref<26x128xi32, #tpu.memory_space<vmem>> -> memref<1x128xi32, #tpu.memory_space<vmem>>
    %dma_wait3A_604 = tpu.memref_squeeze %dma_wait3A_603 : memref<1x128xi32, #tpu.memory_space<vmem>> -> memref<128xi32, #tpu.memory_space<vmem>>
    %dma_wait3A_605 = arith.constant 0 : i32
    %dma_wait3A_606 = arith.constant 0 : i32
    %dma_wait3A_607 = tpu.memref_slice %arg2[%dma_wait3A_605, %dma_wait3A_606] : memref<100000x128xf32, #tpu.memory_space<hbm>> -> memref<100000x128xf32, #tpu.memory_space<hbm>>
    tpu.wait_indirect_dma semaphore(%arg12 : memref<!tpu.dma_semaphore, #tpu.memory_space<semaphore_mem>>) src(%dma_wait3A_607 : memref<100000x128xf32, #tpu.memory_space<hbm>>) dst(%arg8 : memref<128x128xf32, #tpu.memory_space<vmem>>)
    %add3A_608 = arith.constant 2816 : i32
    %add3A_609 = arith.addi %mul3A_2, %add3A_608 : i32
    %dma_start3A_610 = arith.constant 0 : i32
    %dma_start3A_611 = tpu.memref_slice %arg4[%add3A_609, %dma_start3A_610] : memref<106496x128xf32, #tpu.memory_space<hbm>> -> memref<128x128xf32, #tpu.memory_space<hbm>>
    %dma_start3A_612 = arith.constant 0 : i32
    %dma_start3A_613 = tpu.memref_slice %arg4[%add3A_609, %dma_start3A_612] : memref<106496x128xf32, #tpu.memory_space<hbm>> -> memref<128x128xf32, #tpu.memory_space<hbm>>
    tpu.enqueue_dma source(%arg8 : memref<128x128xf32, #tpu.memory_space<vmem>>) target(%dma_start3A_613 : memref<128x128xf32, #tpu.memory_space<hbm>>) target_semaphore(%arg16 : memref<!tpu.dma_semaphore, #tpu.memory_space<semaphore_mem>>)
    %add3A_614 = arith.constant 2816 : i32
    %add3A_615 = arith.addi %mul3A_2, %add3A_614 : i32
    %dma_wait3A_616 = arith.constant 0 : i32
    %dma_wait3A_617 = tpu.memref_slice %arg4[%add3A_615, %dma_wait3A_616] : memref<106496x128xf32, #tpu.memory_space<hbm>> -> memref<128x128xf32, #tpu.memory_space<hbm>>
    %dma_wait3A_618 = arith.constant 0 : i32
    %dma_wait3A_619 = tpu.memref_slice %arg4[%add3A_615, %dma_wait3A_618] : memref<106496x128xf32, #tpu.memory_space<hbm>> -> memref<128x128xf32, #tpu.memory_space<hbm>>
    tpu.wait_dma2 semaphore(%arg16 : memref<!tpu.dma_semaphore, #tpu.memory_space<semaphore_mem>>) src(%arg8 : memref<128x128xf32, #tpu.memory_space<vmem>>) dst(%dma_wait3A_619 : memref<128x128xf32, #tpu.memory_space<hbm>>)
    %dma_wait3A_620 = arith.constant 23 : i32
    %dma_wait3A_621 = arith.constant 0 : i32
    %dma_wait3A_622 = tpu.memref_slice %arg5[%dma_wait3A_620, %dma_wait3A_621] : memref<26x128xi32, #tpu.memory_space<vmem>> -> memref<1x128xi32, #tpu.memory_space<vmem>>
    %dma_wait3A_623 = tpu.memref_squeeze %dma_wait3A_622 : memref<1x128xi32, #tpu.memory_space<vmem>> -> memref<128xi32, #tpu.memory_space<vmem>>
    %dma_wait3A_624 = arith.constant 0 : i32
    %dma_wait3A_625 = arith.constant 0 : i32
    %dma_wait3A_626 = tpu.memref_slice %arg2[%dma_wait3A_624, %dma_wait3A_625] : memref<100000x128xf32, #tpu.memory_space<hbm>> -> memref<100000x128xf32, #tpu.memory_space<hbm>>
    tpu.wait_indirect_dma semaphore(%arg13 : memref<!tpu.dma_semaphore, #tpu.memory_space<semaphore_mem>>) src(%dma_wait3A_626 : memref<100000x128xf32, #tpu.memory_space<hbm>>) dst(%arg9 : memref<128x128xf32, #tpu.memory_space<vmem>>)
    %add3A_627 = arith.constant 2944 : i32
    %add3A_628 = arith.addi %mul3A_2, %add3A_627 : i32
    %dma_start3A_629 = arith.constant 0 : i32
    %dma_start3A_630 = tpu.memref_slice %arg4[%add3A_628, %dma_start3A_629] : memref<106496x128xf32, #tpu.memory_space<hbm>> -> memref<128x128xf32, #tpu.memory_space<hbm>>
    %dma_start3A_631 = arith.constant 0 : i32
    %dma_start3A_632 = tpu.memref_slice %arg4[%add3A_628, %dma_start3A_631] : memref<106496x128xf32, #tpu.memory_space<hbm>> -> memref<128x128xf32, #tpu.memory_space<hbm>>
    tpu.enqueue_dma source(%arg9 : memref<128x128xf32, #tpu.memory_space<vmem>>) target(%dma_start3A_632 : memref<128x128xf32, #tpu.memory_space<hbm>>) target_semaphore(%arg17 : memref<!tpu.dma_semaphore, #tpu.memory_space<semaphore_mem>>)
    %add3A_633 = arith.constant 2944 : i32
    %add3A_634 = arith.addi %mul3A_2, %add3A_633 : i32
    %dma_wait3A_635 = arith.constant 0 : i32
    %dma_wait3A_636 = tpu.memref_slice %arg4[%add3A_634, %dma_wait3A_635] : memref<106496x128xf32, #tpu.memory_space<hbm>> -> memref<128x128xf32, #tpu.memory_space<hbm>>
    %dma_wait3A_637 = arith.constant 0 : i32
    %dma_wait3A_638 = tpu.memref_slice %arg4[%add3A_634, %dma_wait3A_637] : memref<106496x128xf32, #tpu.memory_space<hbm>> -> memref<128x128xf32, #tpu.memory_space<hbm>>
    tpu.wait_dma2 semaphore(%arg17 : memref<!tpu.dma_semaphore, #tpu.memory_space<semaphore_mem>>) src(%arg9 : memref<128x128xf32, #tpu.memory_space<vmem>>) dst(%dma_wait3A_638 : memref<128x128xf32, #tpu.memory_space<hbm>>)
    %dma_wait3A_639 = arith.constant 24 : i32
    %dma_wait3A_640 = arith.constant 0 : i32
    %dma_wait3A_641 = tpu.memref_slice %arg5[%dma_wait3A_639, %dma_wait3A_640] : memref<26x128xi32, #tpu.memory_space<vmem>> -> memref<1x128xi32, #tpu.memory_space<vmem>>
    %dma_wait3A_642 = tpu.memref_squeeze %dma_wait3A_641 : memref<1x128xi32, #tpu.memory_space<vmem>> -> memref<128xi32, #tpu.memory_space<vmem>>
    %dma_wait3A_643 = arith.constant 0 : i32
    %dma_wait3A_644 = arith.constant 0 : i32
    %dma_wait3A_645 = tpu.memref_slice %arg2[%dma_wait3A_643, %dma_wait3A_644] : memref<100000x128xf32, #tpu.memory_space<hbm>> -> memref<100000x128xf32, #tpu.memory_space<hbm>>
    tpu.wait_indirect_dma semaphore(%arg10 : memref<!tpu.dma_semaphore, #tpu.memory_space<semaphore_mem>>) src(%dma_wait3A_645 : memref<100000x128xf32, #tpu.memory_space<hbm>>) dst(%arg6 : memref<128x128xf32, #tpu.memory_space<vmem>>)
    %add3A_646 = arith.constant 3072 : i32
    %add3A_647 = arith.addi %mul3A_2, %add3A_646 : i32
    %dma_start3A_648 = arith.constant 0 : i32
    %dma_start3A_649 = tpu.memref_slice %arg4[%add3A_647, %dma_start3A_648] : memref<106496x128xf32, #tpu.memory_space<hbm>> -> memref<128x128xf32, #tpu.memory_space<hbm>>
    %dma_start3A_650 = arith.constant 0 : i32
    %dma_start3A_651 = tpu.memref_slice %arg4[%add3A_647, %dma_start3A_650] : memref<106496x128xf32, #tpu.memory_space<hbm>> -> memref<128x128xf32, #tpu.memory_space<hbm>>
    tpu.enqueue_dma source(%arg6 : memref<128x128xf32, #tpu.memory_space<vmem>>) target(%dma_start3A_651 : memref<128x128xf32, #tpu.memory_space<hbm>>) target_semaphore(%arg14 : memref<!tpu.dma_semaphore, #tpu.memory_space<semaphore_mem>>)
    %add3A_652 = arith.constant 3072 : i32
    %add3A_653 = arith.addi %mul3A_2, %add3A_652 : i32
    %dma_wait3A_654 = arith.constant 0 : i32
    %dma_wait3A_655 = tpu.memref_slice %arg4[%add3A_653, %dma_wait3A_654] : memref<106496x128xf32, #tpu.memory_space<hbm>> -> memref<128x128xf32, #tpu.memory_space<hbm>>
    %dma_wait3A_656 = arith.constant 0 : i32
    %dma_wait3A_657 = tpu.memref_slice %arg4[%add3A_653, %dma_wait3A_656] : memref<106496x128xf32, #tpu.memory_space<hbm>> -> memref<128x128xf32, #tpu.memory_space<hbm>>
    tpu.wait_dma2 semaphore(%arg14 : memref<!tpu.dma_semaphore, #tpu.memory_space<semaphore_mem>>) src(%arg6 : memref<128x128xf32, #tpu.memory_space<vmem>>) dst(%dma_wait3A_657 : memref<128x128xf32, #tpu.memory_space<hbm>>)
    %dma_wait3A_658 = arith.constant 25 : i32
    %dma_wait3A_659 = arith.constant 0 : i32
    %dma_wait3A_660 = tpu.memref_slice %arg5[%dma_wait3A_658, %dma_wait3A_659] : memref<26x128xi32, #tpu.memory_space<vmem>> -> memref<1x128xi32, #tpu.memory_space<vmem>>
    %dma_wait3A_661 = tpu.memref_squeeze %dma_wait3A_660 : memref<1x128xi32, #tpu.memory_space<vmem>> -> memref<128xi32, #tpu.memory_space<vmem>>
    %dma_wait3A_662 = arith.constant 0 : i32
    %dma_wait3A_663 = arith.constant 0 : i32
    %dma_wait3A_664 = tpu.memref_slice %arg2[%dma_wait3A_662, %dma_wait3A_663] : memref<100000x128xf32, #tpu.memory_space<hbm>> -> memref<100000x128xf32, #tpu.memory_space<hbm>>
    tpu.wait_indirect_dma semaphore(%arg11 : memref<!tpu.dma_semaphore, #tpu.memory_space<semaphore_mem>>) src(%dma_wait3A_664 : memref<100000x128xf32, #tpu.memory_space<hbm>>) dst(%arg7 : memref<128x128xf32, #tpu.memory_space<vmem>>)
    %add3A_665 = arith.constant 3200 : i32
    %add3A_666 = arith.addi %mul3A_2, %add3A_665 : i32
    %dma_start3A_667 = arith.constant 0 : i32
    %dma_start3A_668 = tpu.memref_slice %arg4[%add3A_666, %dma_start3A_667] : memref<106496x128xf32, #tpu.memory_space<hbm>> -> memref<128x128xf32, #tpu.memory_space<hbm>>
    %dma_start3A_669 = arith.constant 0 : i32
    %dma_start3A_670 = tpu.memref_slice %arg4[%add3A_666, %dma_start3A_669] : memref<106496x128xf32, #tpu.memory_space<hbm>> -> memref<128x128xf32, #tpu.memory_space<hbm>>
    tpu.enqueue_dma source(%arg7 : memref<128x128xf32, #tpu.memory_space<vmem>>) target(%dma_start3A_670 : memref<128x128xf32, #tpu.memory_space<hbm>>) target_semaphore(%arg15 : memref<!tpu.dma_semaphore, #tpu.memory_space<semaphore_mem>>)
    %add3A_671 = arith.constant 3200 : i32
    %add3A_672 = arith.addi %mul3A_2, %add3A_671 : i32
    %dma_wait3A_673 = arith.constant 0 : i32
    %dma_wait3A_674 = tpu.memref_slice %arg4[%add3A_672, %dma_wait3A_673] : memref<106496x128xf32, #tpu.memory_space<hbm>> -> memref<128x128xf32, #tpu.memory_space<hbm>>
    %dma_wait3A_675 = arith.constant 0 : i32
    %dma_wait3A_676 = tpu.memref_slice %arg4[%add3A_672, %dma_wait3A_675] : memref<106496x128xf32, #tpu.memory_space<hbm>> -> memref<128x128xf32, #tpu.memory_space<hbm>>
    tpu.wait_dma2 semaphore(%arg15 : memref<!tpu.dma_semaphore, #tpu.memory_space<semaphore_mem>>) src(%arg7 : memref<128x128xf32, #tpu.memory_space<vmem>>) dst(%dma_wait3A_676 : memref<128x128xf32, #tpu.memory_space<hbm>>)
    return
  }
}

</mosaic_0001>

<sc_bundles>
// kernel: kernel.3.cloned.1.call-start
scs
__scs_entry_jumppad:
0x0: {  	(pc) =	sbr.rel $0x88, $3  }
0x1: {  	(tag) =	ssettag $0x0;
	lr =	simm.s32 $0x1  }
0x2: {  	[smem:$0x3F9F] =	sst lr;
	_ =	strace $0xD0000000  }
0x3: {  	_ = 	snop  }
0x4: {  	_ = 	snop  }
0x5: {  	_ = 	snop  }
0x6: {  	_ = 	snop  }
0x7: {  	_ = 	snop  }
__scs_overlays_trampoline_lowered:
0x8: {  	[smem:$0x3FAE] =	sst s0  }
0x9: {  	[smem:$0x3FAF] =	sst s1  }
0xa: {  	[smem:$0x3FB0] =	sst s2  }
0xb: {  	[smem:$0x3FB1] =	sst s3  }
0xc: {  	[smem:$0x3FB2] =	sst s4  }
0xd: {  	[smem:$0x3FB3] =	sst s5  }
0xe: {  	[smem:$0x3FB4] =	sst s6  }
0xf: {  	[smem:$0x3FB5] =	sst s7  }
0x10: {  	[smem:$0x3FB6] =	sst s8  }
0x11: {  	[smem:$0x3FB7] =	sst s9;
	s0 =	simm.s32 @!p0 $0x0  }
0x12: {  	s1 =	sld [smem:$0x3F9D];
	s0 =	simm.s32 @p0 $0x1  }
0x13: {  	[smem:$0x3FB8] =	sst s0;
	s0 =	simm.s32 @!p1 $0x0  }
0x14: {  	s2 =	sld [smem:$0x3F9C];
	s0 =	simm.s32 @p1 $0x1  }
0x15: {  	[smem:$0x3FB9] =	sst s0;
	s0 =	simm.s32 @!p2 $0x0  }
0x16: {  	s3 =	sld [smem:$0x3FDB];
	s0 =	simm.s32 @p2 $0x1  }
0x17: {  	s4 =	simm.s32 $0x1BF5;
	[smem:$0x3FBB] =	sst s0  }
0x18: {  	s0 =	sld [smem:$0x3F9E];
	_ =	swait.ge [sflag:s4], $0x0  }
0x19: {  	s7 =	sld [smem:$0x3F9F]  }
0x1a: {  	s8 =	sadd.s32 $0xFFFFE003, lr  }
0x1b: {  	s9 =	sadd.s32 $0xFFFFFEF7, lr;
	s5 =	simm.s32 $0xFFFFFFFF;
	p2 =	slt.u32 s8, $0xFFFFF086  }
0x1c: {  	p1 =	slt.u32 s9, $0xF7A;
	s5 =	simm.s32 @!p2 $0x0  }
0x1d: {  	s5 =	simm.s32 @p1 $0x1;
	p0 =	seq.s32 s7, s2  }
0x1e: {  	s7 =	smul.u32 @!p0 $0xF7A, s2;
	p2 =	seq.s32 @!p0 s5, $0x0  }
0x1f: {  	s9 =	smul.u32 $0xF7A, s1;
	s8 =	simm.s32 @!p0 $0x1BF5;
	p2 =	por !p2, p0  }
0x20: {  	[sflag:s8] =	ssyncset.s32 @!p0 $0xFFFFF086;
	s6 =	sadd.s32 @!p0 s3, s7;
	s7 =	simm.s32 @!p0 $0x108  }
0x21: {  	s3 =	sadd.s32 s3, s9;
	s6 =	sadd.s32 @!p0 $0x88, s6;
	s7 =	simm.s32 @p2 $0x1082  }
0x22: {  	[simem:s7], [sflag:s8] =	dma.local @!p0 [hbm:s6], $0xF7A  }
0x23: {  	s9 =	sor.u32 $0xD0000000, s2;
	s6 =	simm.s32 $0x108;
	_ =	swait.ge @!p0 [sflag:s8], $0x0  }
0x24: {  	s3 =	sadd.s32 $0x88, s3;
	s6 =	simm.s32 @!p1 $0x1082;
	[sflag:s4] =	ssyncset.s32 $0xFFFFF086  }
0x25: {  	[simem:s6], [sflag:s4] =	dma.local [hbm:s3], $0xF7A  }
0x26: {  	[smem:$0x3F9F] =	sst s1;
	(tag) =	ssettag s2;
	_ =	strace s9  }
0x27: {  	s1 =	sld [smem:$0x3FAF]  }
0x28: {  	s2 =	sld [smem:$0x3FB0]  }
0x29: {  	s4 =	sld [smem:$0x3FB2]  }
0x2a: {  	p0 =	seq.s32 s5, $0x0;
	s5 =	sld [smem:$0x3FB3]  }
0x2b: {  	s6 =	sld [smem:$0x3FB4]  }
0x2c: {  	s7 =	sld [smem:$0x3FB5]  }
0x2d: {  	s3 =	simm.s32 $0x108;
	s8 =	sld [smem:$0x3FB6]  }
0x2e: {  	s3 =	simm.s32 @!p0 $0x1082;
	s9 =	sld [smem:$0x3FB7]  }
0x2f: {  	lr =	sadd.s32 s0, s3;
	s0 =	sld [smem:$0x3FAE]  }
0x30: {  	s3 =	sld [smem:$0x3FB1]  }
0x31: {  	[smem:$0x3FBA] =	sst s10  }
0x32: {  	s10 =	sld [smem:$0x3FB8];
	_ =	sdelay $0x3  }
0x33: {  	p0 =	seq.s32 s10, $0x1;
	s10 =	sld [smem:$0x3FBA];
	_ =	sdelay $0x3  }
0x34: {  	[smem:$0x3FBA] =	sst s10  }
0x35: {  	s10 =	sld [smem:$0x3FB9];
	_ =	sdelay $0x3  }
0x36: {  	p1 =	seq.s32 s10, $0x1;
	s10 =	sld [smem:$0x3FBA];
	_ =	sdelay $0x3  }
0x37: {  	[smem:$0x3FBA] =	sst s10  }
0x38: {  	s10 =	sld [smem:$0x3FBB]  }
0x39: {  	_ = 	snop;
	(pc) =	sbr.ind lr, $3  }
0x3a: {  	_ = 	snop  }
0x3b: {  	_ = 	snop  }
0x3c: {  	p2 =	seq.s32 s10, $0x1;
	s10 =	sld [smem:$0x3FBA]  }
0x3d: {  	_ =	shalt  }
0x3e: {  	_ =	shalt  }
0x3f: {  	_ =	shalt  }
0x40: {  	_ =	shalt  }
0x41: {  	_ =	shalt  }
0x42: {  	_ =	shalt  }
0x43: {  	_ =	shalt  }
0x44: {  	_ =	shalt  }
0x45: {  	_ =	shalt  }
0x46: {  	_ =	shalt  }
0x47: {  	_ =	shalt  }
0x48: {  	_ =	shalt  }
0x49: {  	_ =	shalt  }
0x4a: {  	_ =	shalt  }
0x4b: {  	_ =	shalt  }
0x4c: {  	_ =	shalt  }
0x4d: {  	_ =	shalt  }
0x4e: {  	_ =	shalt  }
0x4f: {  	_ =	shalt  }
0x50: {  	_ =	shalt  }
0x51: {  	_ =	shalt  }
0x52: {  	_ =	shalt  }
0x53: {  	_ =	shalt  }
0x54: {  	_ =	shalt  }
0x55: {  	_ =	shalt  }
0x56: {  	_ =	shalt  }
0x57: {  	_ =	shalt  }
0x58: {  	_ =	shalt  }
0x59: {  	_ =	shalt  }
0x5a: {  	_ =	shalt  }
0x5b: {  	_ =	shalt  }
0x5c: {  	_ =	shalt  }
0x5d: {  	_ =	shalt  }
0x5e: {  	_ =	shalt  }
0x5f: {  	_ =	shalt  }
0x60: {  	_ =	shalt  }
0x61: {  	_ =	shalt  }
0x62: {  	_ =	shalt  }
0x63: {  	_ =	shalt  }
0x64: {  	_ =	shalt  }
0x65: {  	_ =	shalt  }
0x66: {  	_ =	shalt  }
0x67: {  	_ =	shalt  }
0x68: {  	_ =	shalt  }
0x69: {  	_ =	shalt  }
0x6a: {  	_ =	shalt  }
0x6b: {  	_ =	shalt  }
0x6c: {  	_ =	shalt  }
0x6d: {  	_ =	shalt  }
0x6e: {  	_ =	shalt  }
0x6f: {  	_ =	shalt  }
0x70: {  	_ =	shalt  }
0x71: {  	_ =	shalt  }
0x72: {  	_ =	shalt  }
0x73: {  	_ =	shalt  }
0x74: {  	_ =	shalt  }
0x75: {  	_ =	shalt  }
0x76: {  	_ =	shalt  }
0x77: {  	_ =	shalt  }
0x78: {  	_ =	shalt  }
0x79: {  	_ =	shalt  }
0x7a: {  	_ =	shalt  }
0x7b: {  	_ =	shalt  }
0x7c: {  	_ =	shalt  }
0x7d: {  	_ =	shalt  }
0x7e: {  	_ =	shalt  }
0x7f: {  	_ =	shalt  }
0x80: {  	_ =	shalt  }
0x81: {  	_ =	shalt  }
0x82: {  	_ =	shalt  }
0x83: {  	_ =	shalt  }
0x84: {  	_ =	shalt  }
0x85: {  	_ =	shalt  }
0x86: {  	_ =	shalt  }
0x87: {  	_ =	shalt  }
.Lfunc_end0:
.L_simem_size_0:
called_computation_lowered:
.L_overlay_start_0:
0x88: {  	s2 =	sld [smem:$0x3FD9]  }
0x89: {  	s3 =	sld [smem:$0x3FFE];
	_ =	sdelay $0x1  }
0x8a: {  	s1 =	srdreg.scid  }
0x8b: {  	s0 =	sand.u32 $0x1, s1  }
0x8c: {  	s17 =	sshll.u32 s0, $0xA;
	s2 =	sadd.s32 s3, s2  }
0x8d: {  	s2 =	sadd.s32 s2, s17  }
0x8e: {  	[smem:$0x3FC6] =	sst s2  }
0x8f: {  	_ = 	snop  }
0x90: {  	s2 =	sld [smem:$0x3FC8]  }
0x91: {  	s18 =	sld [smem:$0x3FD0];
	(tm) =	ssettm $0x1  }
0x92: {  	s4 =	sld [smem:$0x3FFB];
	_ =	sdelay $0x3  }
0x93: {  	_ =	strace s4  }
0x94: {  	s4 =	sld [smem:$0x3FFC];
	_ =	sdelay $0x3  }
0x95: {  	_ =	strace s4  }
0x96: {  	s4 =	sld [smem:$0x3FFD];
	_ =	sdelay $0x3  }
0x97: {  	_ =	strace s4  }
0x98: {  	_ =	strace $0x8FFFFFFF  }
0x99: {  	s19 =	sld [smem:$0x3FDB];
	_ =	sdelay $0x1  }
0x9a: {  	s5 =	simm.s32 $_scs_section_size  }
0x9b: {  	s6 =	simm.s32 $_size__tile_overlayer_lowered;
	s7 =	simm.s32 $_tile_overlayer_lowered  }
0x9c: {  	s22 =	simm.s32 $0x1BFF;
	s21 =	sshll.u32 s7, $0x1;
	s4 =	sadd.s32 s5, s19  }
0x9d: {  	s8 =	simm.s32 $0x0;
	s20 =	sshll.u32 s6, $0x1;
	s6 =	sadd.s32 s21, s4  }
0x9e: {  	[timem:s8], [sflag:s22] =	dma.local [hbm:s6], s20  }
0x9f: {  	_ =	swait.ge [sflag:s22], s20  }
0xa0: {  	s5 =	ssub.s32 $0x0, s20;
	[sflag:s22] =	ssyncset.done $0x0  }
0xa1: {  	[sflag:s22] =	ssyncadd.s32 s5;
	_ =	sdelay $0x1  }
0xa2: {  	s23 =	simm.s32 $0x1B8B  }
0xa3: {  	_ =	swait.ge [sflag:s23], $0x1  }
0xa4: {  	[sflag:s23] =	ssyncset.done $0x0  }
0xa5: {  	s25 =	simm.s32 $0x1B8E;
	s24 =	sld [smem:$0x3FFE];
	[sflag:s23] =	ssyncadd.s32 $0xFFFFFFFF  }
0xa6: {  	s26 =	simm.s32 $execute0_lowered;
	[smem:$0x3FD2] =	sst s25  }
0xa7: {  	s6 =	sshll.u32 s26, $0x1;
	_ =	strace $0x80000046;
	[dreg:$0x1] =	wrdreg $0xFFFFFFFF  }
0xa8: {  	s28 =	simm.s32 $_size_execute0_lowered;
	s4 =	sadd.s32 s4, s6;
	[dreg:$0x0] =	wrdreg $0x0  }
0xa9: {  	s6 =	sshll.u32 s28, $0x1;
	[dreg:$0x2] =	wrdreg s4  }
0xaa: {  	[dreg:$0x3] =	wrdreg s6  }
0xab: {  	[dreg:$0x4] =	wrdreg $0xC0  }
0xac: {  	_ =	task [dreg:s8], $0x5FFFF  }
0xad: {  	[dreg:$0x1] =	wrdreg $0xFFFFFFFF  }
0xae: {  	[dreg:$0x0] =	wrdreg $0x60  }
0xaf: {  	[dreg:$0x2] =	wrdreg s2  }
0xb0: {  	[dreg:$0x3] =	wrdreg s24  }
0xb1: {  	[dreg:$0x4] =	wrdreg s18  }
0xb2: {  	[dreg:$0x5] =	wrdreg $0x9  }
0xb3: {  	_ =	task.clear_ibuf [dreg:s8], $0x6FFFF;
	_ =	strace $0x90000046  }
0xb4: {  	s29 =	simm.s32 $0x9;
	_ =	strace $0x80000048  }
0xb5: {  	_ =	swait.ge [sflag:s29], $0x1  }
0xb6: {  	[sflag:s29] =	ssyncadd.s32 $0xFFFFFFFF  }
0xb7: {  	_ =	strace $0x90000048  }
0xb8: {  	_ =	sfence  }
0xb9: {  	s30 =	sld [smem:$0x0];
	_ =	sdelay $0x2  }
0xba: {  	s31 =	sshll.u32 s1, $0xD;
	s1 =	sshrl.u32 s1, $0x2  }
0xbb: {  	s3 =	sand.u32 $0x4000, s31;
	s1 =	sadd.s32 s1, s30  }
0xbc: {  	s0 =	sor.u32 s3, s0;
	s1 =	sshll.u32 s1, $0x11  }
0xbd: {  	s0 =	sor.u32 s1, s0  }
0xbe: {  	s0 =	sadd.s32 $0x8F2B, s0  }
0xbf: {  	[sflag:s0] =	ssyncadd.remote.s32 $0x1  }
0xc0: {  	_ =	sfence.sel $0xFFFF  }
0xc1: {  	[dreg:$0x0] =	wrdreg $0xFFFFFFFF;
	(pc) =	sbr.abs _section_cstart, $3  }
0xc2: {  	[dreg:$0x1] =	wrdreg $0xFFFFFFFF  }
0xc3: {  	_ =	task.clear_ibuf [dreg:s8], $0x2FFFF;
	_ =	strace $0x9FFFFFFF  }
0xc4: {  	(tm) =	ssettm $0x7FFFFFFF  }
0xc5: {  	_ =	shalt  }
tec
execute0_lowered:
.L_overlay_start_1:
0x0: {  	(tag) =	ssettag $0x1  }
0x1: {  	s0 =	srdreg.scid;
	s17 =	stileid.u32  }
0x2: {  	s0 =	sand.u32 $0x1, s0;
	s2 =	sshll.u32 s17, $0x1  }
0x3: {  	s3 =	rddreg [dreg:$0x0];
	s5 =	sor.u32 s0, s2  }
0x4: {  	s1 =	rddreg [dreg:$0x1];
	s2 =	simm.s32 $0x0;
	s6 =	smul.u32 $0xD000, s5  }
0x5: {  	[smem:$0x7FF] =	sst s2;
	s7 =	sshll.u32 s5, $0x9;
	s5 =	smul.u32 $0x68000, s5  }
0x6: {  	s4 =	rddreg [dreg:$0x2];
	_ =	strace $0x80000047;
	s1 =	sadd.s32 s7, s1  }
0x7: {  	s1 =	sadd.s32 $0x400, s1;
	s30 =	sadd.s32 s4, s6;
	s5 =	sshrl.u32 s5, $0x3  }
0x8: {  	[dreg:$0x4] =	wrdreg s1;
	s9 =	sadd.s32 $0x800, s30;
	s4 =	sadd.s32 s4, s5  }
0x9: {  	[dreg:$0x5] =	wrdreg s9;
	s10 =	sadd.s32 $0x1000, s4  }
0xa: {  	s11 =	sadd.s32 $0x1800, s4;
	[dreg:$0x6] =	wrdreg s10  }
0xb: {  	s12 =	sadd.s32 $0x2000, s4;
	[dreg:$0x7] =	wrdreg s11  }
0xc: {  	s13 =	sadd.s32 $0x2800, s4;
	[dreg:$0x8] =	wrdreg s12  }
0xd: {  	s14 =	sadd.s32 $0x3000, s4;
	[dreg:$0x9] =	wrdreg s13  }
0xe: {  	s15 =	sadd.s32 $0x3800, s4;
	[dreg:$0xa] =	wrdreg s14  }
0xf: {  	s16 =	sadd.s32 $0x4000, s4;
	[dreg:$0xb] =	wrdreg s15  }
0x10: {  	s18 =	sadd.s32 $0x4800, s4;
	[dreg:$0xc] =	wrdreg s16  }
0x11: {  	s19 =	sadd.s32 $0x5000, s4;
	[dreg:$0xd] =	wrdreg s18  }
0x12: {  	s20 =	sadd.s32 $0x5800, s4;
	[dreg:$0xe] =	wrdreg s19  }
0x13: {  	s21 =	sadd.s32 $0x6000, s4;
	[dreg:$0xf] =	wrdreg s20  }
0x14: {  	s22 =	sadd.s32 $0x6800, s4;
	[dreg:$0x10] =	wrdreg s21  }
0x15: {  	s23 =	sadd.s32 $0x7000, s4;
	[dreg:$0x11] =	wrdreg s22  }
0x16: {  	s24 =	sadd.s32 $0x7800, s4;
	[dreg:$0x12] =	wrdreg s23  }
0x17: {  	s25 =	sadd.s32 $0x8000, s4;
	[dreg:$0x13] =	wrdreg s24  }
0x18: {  	s26 =	sadd.s32 $0x8800, s4;
	[dreg:$0x14] =	wrdreg s25  }
0x19: {  	s31 =	simm.s32 $0x9;
	s5 =	sadd.s32 $0x9000, s4;
	[dreg:$0x15] =	wrdreg s26  }
0x1a: {  	s29 =	simm.s32 $0x780;
	s6 =	sadd.s32 $0x9800, s4;
	[dreg:$0x16] =	wrdreg s5  }
0x1b: {  	s28 =	simm.s32 $0x800;
	s7 =	sadd.s32 $0xA000, s4;
	[dreg:$0x17] =	wrdreg s6  }
0x1c: {  	p0 =	por $0x0, $0x0;
	s8 =	sadd.s32 $0xA800, s4;
	[dreg:$0x18] =	wrdreg s7  }
0x1d: {  	s0 =	ssub.s32 $0x2, s0;
	s9 =	sadd.s32 $0xB000, s4;
	[dreg:$0x19] =	wrdreg s8  }
0x1e: {  	[dreg:$0x1a] =	wrdreg s9;
	s10 =	sadd.s32 $0xB800, s4;
	s11 =	sshrl.u32 s0, $0x1  }
0x1f: {  	s12 =	sadd.s32 $0xC000, s4;
	s13 =	sadd.s32 $0xC800, s4;
	s14 =	simm.s32 $0x100  }
0x20: {  	s5 =	simm.s32 $0x1000;
	s15 =	simm.s32 $0x180;
	[dreg:$0x1b] =	wrdreg s10  }
0x21: {  	s4 =	simm.s32 $0x5000;
	s16 =	simm.s32 $0x200;
	[dreg:$0x1c] =	wrdreg s12  }
0x22: {  	s18 =	simm.s32 $0x280;
	s19 =	simm.s32 $0x300;
	[dreg:$0x1d] =	wrdreg s13  }
0x23: {  	s9 =	simm.s32 $0x1;
	s20 =	simm.s32 $0x380;
	[dreg:$0x1e] =	wrdreg s14  }
0x24: {  	s8 =	simm.s32 $0x5;
	s21 =	simm.s32 $0x400;
	[dreg:$0x1f] =	wrdreg s15  }
0x25: {  	s7 =	simm.s32 $0x2;
	s22 =	simm.s32 $0x480;
	[smem:$0x7F4] =	sst s16  }
0x26: {  	s6 =	simm.s32 $0x6;
	s23 =	simm.s32 $0x500;
	[smem:$0x7F5] =	sst s18  }
0x27: {  	s24 =	simm.s32 $0x580;
	s25 =	simm.s32 $0x600;
	[smem:$0x7F6] =	sst s19  }
0x28: {  	s26 =	simm.s32 $0x680;
	s0 =	ssub.s32 s0, s11;
	[smem:$0x7F7] =	sst s20  }
0x29: {  	s11 =	simm.s32 $0x80;
	s12 =	simm.s32 $0x9000;
	[smem:$0x7F8] =	sst s21  }
0x2a: {  	s10 =	simm.s32 $0xD000;
	[smem:$0x7F9] =	sst s22;
	s16 =	simm.s32 $0x3  }
0x2b: {  	[smem:$0x7FA] =	sst s23;
	s15 =	simm.s32 $0x7;
	s0 =	smax.u32 s0, $0x1  }
0x2c: {  	[smem:$0x7FB] =	sst s24;
	s14 =	simm.s32 $0x4;
	p1 =	sne.s32 s0, $0x1  }
.Ltmp0:
0x2d: {  	[smem:$0x7FC] =	sst s25;
	s13 =	simm.s32 $0x8;
	(pc) =	sbr.rel @!p1 .LBB2_1-.Ltmp0, $4  }
0x2e: {  	[smem:$0x7FD] =	sst s26;
	s26 =	simm.s32 $0x880;
	s25 =	simm.s32 $0x900  }
0x2f: {  	s24 =	simm.s32 $0x980;
	s23 =	simm.s32 $0xA00;
	s22 =	simm.s32 $0xA80  }
0x30: {  	s21 =	simm.s32 $0xB00;
	s20 =	simm.s32 $0xB80;
	s19 =	simm.s32 $0xC00  }
0x31: {  	s18 =	simm.s32 $0xC80;
	s1 =	sadd.s32 $0xFFFFFFFF, s0;
	s0 =	rddreg [dreg:$0x4]  }
0x32: {  	[tilespmem:s2], [sflag:$0x9] =	stream.linear.gather [hbm4b:s0+s2], $0xD00, $0x38;
	[tilespmem:$0x11000] =	vst v63  }
0x33: {  	_ =	swait.ge [sflag:s31], $0xD00  }
0x34: {  	[sflag:s31] =	ssyncset.done $0x0  }
0x35: {  	[sflag:s31] =	ssyncadd.s32 $0xFFFFF300  }
0x36: {  	[tilespmem:s5], [sflag:$0x1] =	stream.indirect.gather [hbm4b:s3+s11], $0x80, s2, s11, $0xb8;
	[tilespmem:$0x11000] =	vst v63  }
0x37: {  	_ = 	snop  }
0x38: {  	[tilespmem:s4], [sflag:$0x2] =	stream.indirect.gather [hbm4b:s3+s11], $0x80, s11, s11, $0xb8;
	[tilespmem:$0x11000] =	vst v63  }
0x39: {  	s0 =	rddreg [dreg:$0x1e]  }
0x3a: {  	[tilespmem:s12], [sflag:$0x3] =	stream.indirect.gather [hbm4b:s3+s11], $0x80, s0, s11, $0xb8;
	[tilespmem:$0x11000] =	vst v63  }
0x3b: {  	s17 =	smov.u32 s1;
	s1 =	rddreg [dreg:$0x1f]  }
0x3c: {  	[tilespmem:s10], [sflag:$0x4] =	stream.indirect.gather [hbm4b:s3+s11], $0x80, s1, s11, $0xb8;
	[tilespmem:$0x11000] =	vst v63  }
0x3d: {  	_ =	swait.ge [sflag:s9], $0x4000  }
0x3e: {  	[sflag:s9] =	ssyncset.done $0x0  }
0x3f: {  	[sflag:s9] =	ssyncadd.s32 $0xFFFFC000  }
0x40: {  	[hbm4b:s30+s2] =	stream.linear.scatter [tilespmem:s5], [sflag:$0x5], $0x4000, $0x38;
	[tilespmem:$0x11000] =	vst v63  }
0x41: {  	_ =	swait.ge [sflag:s8], $0x4000  }
0x42: {  	s1 =	sld [smem:$0x7F4]  }
0x43: {  	[sflag:s8] =	ssyncset.done $0x0  }
0x44: {  	[sflag:s8] =	ssyncadd.s32 $0xFFFFC000  }
0x45: {  	[tilespmem:s5], [sflag:$0x1] =	stream.indirect.gather [hbm4b:s3+s11], $0x80, s1, s11, $0xb8;
	[tilespmem:$0x11000] =	vst v63  }
0x46: {  	_ =	swait.ge [sflag:s7], $0x4000  }
0x47: {  	[sflag:s7] =	ssyncset.done $0x0  }
0x48: {  	s1 =	rddreg [dreg:$0x5];
	[sflag:s7] =	ssyncadd.s32 $0xFFFFC000  }
0x49: {  	[hbm4b:s1+s2] =	stream.linear.scatter [tilespmem:s4], [sflag:$0x6], $0x4000, $0x38;
	[tilespmem:$0x11000] =	vst v63  }
0x4a: {  	_ =	swait.ge [sflag:s6], $0x4000  }
0x4b: {  	s1 =	sld [smem:$0x7F5]  }
0x4c: {  	[sflag:s6] =	ssyncset.done $0x0  }
0x4d: {  	[sflag:s6] =	ssyncadd.s32 $0xFFFFC000  }
0x4e: {  	[tilespmem:s4], [sflag:$0x2] =	stream.indirect.gather [hbm4b:s3+s11], $0x80, s1, s11, $0xb8;
	[tilespmem:$0x11000] =	vst v63  }
0x4f: {  	_ =	swait.ge [sflag:s16], $0x4000  }
0x50: {  	[sflag:s16] =	ssyncset.done $0x0  }
0x51: {  	s1 =	rddreg [dreg:$0x6];
	[sflag:s16] =	ssyncadd.s32 $0xFFFFC000  }
0x52: {  	[hbm4b:s1+s2] =	stream.linear.scatter [tilespmem:s12], [sflag:$0x7], $0x4000, $0x38;
	[tilespmem:$0x11000] =	vst v63  }
0x53: {  	_ =	swait.ge [sflag:s15], $0x4000  }
0x54: {  	s1 =	sld [smem:$0x7F6]  }
0x55: {  	[sflag:s15] =	ssyncset.done $0x0  }
0x56: {  	[sflag:s15] =	ssyncadd.s32 $0xFFFFC000  }
0x57: {  	[tilespmem:s12], [sflag:$0x3] =	stream.indirect.gather [hbm4b:s3+s11], $0x80, s1, s11, $0xb8;
	[tilespmem:$0x11000] =	vst v63  }
0x58: {  	_ =	swait.ge [sflag:s14], $0x4000  }
0x59: {  	[sflag:s14] =	ssyncset.done $0x0  }
0x5a: {  	s1 =	rddreg [dreg:$0x7];
	[sflag:s14] =	ssyncadd.s32 $0xFFFFC000  }
0x5b: {  	[hbm4b:s1+s2] =	stream.linear.scatter [tilespmem:s10], [sflag:$0x8], $0x4000, $0x38;
	[tilespmem:$0x11000] =	vst v63  }
0x5c: {  	_ =	swait.ge [sflag:s13], $0x4000  }
0x5d: {  	s1 =	sld [smem:$0x7F7]  }
0x5e: {  	[sflag:s13] =	ssyncset.done $0x0  }
0x5f: {  	[sflag:s13] =	ssyncadd.s32 $0xFFFFC000  }
0x60: {  	[tilespmem:s10], [sflag:$0x4] =	stream.indirect.gather [hbm4b:s3+s11], $0x80, s1, s11, $0xb8;
	[tilespmem:$0x11000] =	vst v63  }
0x61: {  	_ =	swait.ge [sflag:s9], $0x4000  }
0x62: {  	[sflag:s9] =	ssyncset.done $0x0  }
0x63: {  	s1 =	rddreg [dreg:$0x8];
	[sflag:s9] =	ssyncadd.s32 $0xFFFFC000  }
0x64: {  	[hbm4b:s1+s2] =	stream.linear.scatter [tilespmem:s5], [sflag:$0x5], $0x4000, $0x38;
	[tilespmem:$0x11000] =	vst v63  }
0x65: {  	_ =	swait.ge [sflag:s8], $0x4000  }
0x66: {  	s1 =	sld [smem:$0x7F8]  }
0x67: {  	[sflag:s8] =	ssyncset.done $0x0  }
0x68: {  	[sflag:s8] =	ssyncadd.s32 $0xFFFFC000  }
0x69: {  	[tilespmem:s5], [sflag:$0x1] =	stream.indirect.gather [hbm4b:s3+s11], $0x80, s1, s11, $0xb8;
	[tilespmem:$0x11000] =	vst v63  }
0x6a: {  	_ =	swait.ge [sflag:s7], $0x4000  }
0x6b: {  	[sflag:s7] =	ssyncset.done $0x0  }
0x6c: {  	s1 =	rddreg [dreg:$0x9];
	[sflag:s7] =	ssyncadd.s32 $0xFFFFC000  }
0x6d: {  	[hbm4b:s1+s2] =	stream.linear.scatter [tilespmem:s4], [sflag:$0x6], $0x4000, $0x38;
	[tilespmem:$0x11000] =	vst v63  }
0x6e: {  	_ =	swait.ge [sflag:s6], $0x4000  }
0x6f: {  	s1 =	sld [smem:$0x7F9]  }
0x70: {  	[sflag:s6] =	ssyncset.done $0x0  }
0x71: {  	[sflag:s6] =	ssyncadd.s32 $0xFFFFC000  }
0x72: {  	[tilespmem:s4], [sflag:$0x2] =	stream.indirect.gather [hbm4b:s3+s11], $0x80, s1, s11, $0xb8;
	[tilespmem:$0x11000] =	vst v63  }
0x73: {  	_ =	swait.ge [sflag:s16], $0x4000  }
0x74: {  	[sflag:s16] =	ssyncset.done $0x0  }
0x75: {  	s1 =	rddreg [dreg:$0xa];
	[sflag:s16] =	ssyncadd.s32 $0xFFFFC000  }
0x76: {  	[hbm4b:s1+s2] =	stream.linear.scatter [tilespmem:s12], [sflag:$0x7], $0x4000, $0x38;
	[tilespmem:$0x11000] =	vst v63  }
0x77: {  	_ =	swait.ge [sflag:s15], $0x4000  }
0x78: {  	s1 =	sld [smem:$0x7FA]  }
0x79: {  	[sflag:s15] =	ssyncset.done $0x0  }
0x7a: {  	[sflag:s15] =	ssyncadd.s32 $0xFFFFC000  }
0x7b: {  	[tilespmem:s12], [sflag:$0x3] =	stream.indirect.gather [hbm4b:s3+s11], $0x80, s1, s11, $0xb8;
	[tilespmem:$0x11000] =	vst v63  }
0x7c: {  	_ =	swait.ge [sflag:s14], $0x4000  }
0x7d: {  	[sflag:s14] =	ssyncset.done $0x0  }
0x7e: {  	s1 =	rddreg [dreg:$0xb];
	[sflag:s14] =	ssyncadd.s32 $0xFFFFC000  }
0x7f: {  	[hbm4b:s1+s2] =	stream.linear.scatter [tilespmem:s10], [sflag:$0x8], $0x4000, $0x38;
	[tilespmem:$0x11000] =	vst v63  }
0x80: {  	_ =	swait.ge [sflag:s13], $0x4000  }
0x81: {  	s1 =	sld [smem:$0x7FB]  }
0x82: {  	[sflag:s13] =	ssyncset.done $0x0  }
0x83: {  	[sflag:s13] =	ssyncadd.s32 $0xFFFFC000  }
0x84: {  	[tilespmem:s10], [sflag:$0x4] =	stream.indirect.gather [hbm4b:s3+s11], $0x80, s1, s11, $0xb8;
	[tilespmem:$0x11000] =	vst v63  }
0x85: {  	_ =	swait.ge [sflag:s9], $0x4000  }
0x86: {  	[sflag:s9] =	ssyncset.done $0x0  }
0x87: {  	s1 =	rddreg [dreg:$0xc];
	[sflag:s9] =	ssyncadd.s32 $0xFFFFC000  }
0x88: {  	[hbm4b:s1+s2] =	stream.linear.scatter [tilespmem:s5], [sflag:$0x5], $0x4000, $0x38;
	[tilespmem:$0x11000] =	vst v63  }
0x89: {  	_ =	swait.ge [sflag:s8], $0x4000  }
0x8a: {  	s1 =	sld [smem:$0x7FC]  }
0x8b: {  	[sflag:s8] =	ssyncset.done $0x0  }
0x8c: {  	[sflag:s8] =	ssyncadd.s32 $0xFFFFC000  }
0x8d: {  	[tilespmem:s5], [sflag:$0x1] =	stream.indirect.gather [hbm4b:s3+s11], $0x80, s1, s11, $0xb8;
	[tilespmem:$0x11000] =	vst v63  }
0x8e: {  	_ =	swait.ge [sflag:s7], $0x4000  }
0x8f: {  	[sflag:s7] =	ssyncset.done $0x0  }
0x90: {  	s1 =	rddreg [dreg:$0xd];
	[sflag:s7] =	ssyncadd.s32 $0xFFFFC000  }
0x91: {  	[hbm4b:s1+s2] =	stream.linear.scatter [tilespmem:s4], [sflag:$0x6], $0x4000, $0x38;
	[tilespmem:$0x11000] =	vst v63  }
0x92: {  	_ =	swait.ge [sflag:s6], $0x4000  }
0x93: {  	s1 =	sld [smem:$0x7FD]  }
0x94: {  	[sflag:s6] =	ssyncset.done $0x0  }
0x95: {  	[sflag:s6] =	ssyncadd.s32 $0xFFFFC000  }
0x96: {  	[tilespmem:s4], [sflag:$0x2] =	stream.indirect.gather [hbm4b:s3+s11], $0x80, s1, s11, $0xb8;
	[tilespmem:$0x11000] =	vst v63  }
0x97: {  	_ =	swait.ge [sflag:s16], $0x4000  }
0x98: {  	[sflag:s16] =	ssyncset.done $0x0  }
0x99: {  	s1 =	rddreg [dreg:$0xe];
	[sflag:s16] =	ssyncadd.s32 $0xFFFFC000  }
0x9a: {  	[hbm4b:s1+s2] =	stream.linear.scatter [tilespmem:s12], [sflag:$0x7], $0x4000, $0x38;
	[tilespmem:$0x11000] =	vst v63  }
0x9b: {  	_ =	swait.ge [sflag:s15], $0x4000  }
0x9c: {  	[sflag:s15] =	ssyncset.done $0x0  }
0x9d: {  	s1 =	simm.s32 $0x700;
	[sflag:s15] =	ssyncadd.s32 $0xFFFFC000  }
0x9e: {  	[tilespmem:s12], [sflag:$0x3] =	stream.indirect.gather [hbm4b:s3+s11], $0x80, s1, s11, $0xb8;
	[tilespmem:$0x11000] =	vst v63  }
0x9f: {  	_ =	swait.ge [sflag:s14], $0x4000  }
0xa0: {  	[sflag:s14] =	ssyncset.done $0x0  }
0xa1: {  	s1 =	rddreg [dreg:$0xf];
	[sflag:s14] =	ssyncadd.s32 $0xFFFFC000  }
0xa2: {  	[hbm4b:s1+s2] =	stream.linear.scatter [tilespmem:s10], [sflag:$0x8], $0x4000, $0x38;
	[tilespmem:$0x11000] =	vst v63  }
0xa3: {  	_ =	swait.ge [sflag:s13], $0x4000  }
0xa4: {  	[sflag:s13] =	ssyncset.done $0x0  }
0xa5: {  	[sflag:s13] =	ssyncadd.s32 $0xFFFFC000  }
0xa6: {  	[tilespmem:s10], [sflag:$0x4] =	stream.indirect.gather [hbm4b:s3+s11], $0x80, s29, s11, $0xb8;
	[tilespmem:$0x11000] =	vst v63  }
0xa7: {  	_ =	swait.ge [sflag:s9], $0x4000  }
0xa8: {  	[sflag:s9] =	ssyncset.done $0x0  }
0xa9: {  	s1 =	rddreg [dreg:$0x10];
	[sflag:s9] =	ssyncadd.s32 $0xFFFFC000  }
0xaa: {  	[hbm4b:s1+s2] =	stream.linear.scatter [tilespmem:s5], [sflag:$0x5], $0x4000, $0x38;
	[tilespmem:$0x11000] =	vst v63  }
0xab: {  	_ =	swait.ge [sflag:s8], $0x4000  }
0xac: {  	[sflag:s8] =	ssyncset.done $0x0  }
0xad: {  	[sflag:s8] =	ssyncadd.s32 $0xFFFFC000  }
0xae: {  	[tilespmem:s5], [sflag:$0x1] =	stream.indirect.gather [hbm4b:s3+s11], $0x80, s28, s11, $0xb8;
	[tilespmem:$0x11000] =	vst v63  }
0xaf: {  	_ =	swait.ge [sflag:s7], $0x4000  }
0xb0: {  	[sflag:s7] =	ssyncset.done $0x0  }
0xb1: {  	s1 =	rddreg [dreg:$0x11];
	[sflag:s7] =	ssyncadd.s32 $0xFFFFC000  }
0xb2: {  	[hbm4b:s1+s2] =	stream.linear.scatter [tilespmem:s4], [sflag:$0x6], $0x4000, $0x38;
	[tilespmem:$0x11000] =	vst v63  }
0xb3: {  	_ =	swait.ge [sflag:s6], $0x4000  }
0xb4: {  	[sflag:s6] =	ssyncset.done $0x0  }
0xb5: {  	[sflag:s6] =	ssyncadd.s32 $0xFFFFC000  }
0xb6: {  	[tilespmem:s4], [sflag:$0x2] =	stream.indirect.gather [hbm4b:s3+s11], $0x80, s26, s11, $0xb8;
	[tilespmem:$0x11000] =	vst v63  }
0xb7: {  	_ =	swait.ge [sflag:s16], $0x4000  }
0xb8: {  	[sflag:s16] =	ssyncset.done $0x0  }
0xb9: {  	s1 =	rddreg [dreg:$0x12];
	[sflag:s16] =	ssyncadd.s32 $0xFFFFC000  }
0xba: {  	[hbm4b:s1+s2] =	stream.linear.scatter [tilespmem:s12], [sflag:$0x7], $0x4000, $0x38;
	[tilespmem:$0x11000] =	vst v63  }
0xbb: {  	_ =	swait.ge [sflag:s15], $0x4000  }
0xbc: {  	[sflag:s15] =	ssyncset.done $0x0  }
0xbd: {  	[sflag:s15] =	ssyncadd.s32 $0xFFFFC000  }
0xbe: {  	[tilespmem:s12], [sflag:$0x3] =	stream.indirect.gather [hbm4b:s3+s11], $0x80, s25, s11, $0xb8;
	[tilespmem:$0x11000] =	vst v63  }
0xbf: {  	_ =	swait.ge [sflag:s14], $0x4000  }
0xc0: {  	[sflag:s14] =	ssyncset.done $0x0  }
0xc1: {  	s1 =	rddreg [dreg:$0x13];
	[sflag:s14] =	ssyncadd.s32 $0xFFFFC000  }
0xc2: {  	[hbm4b:s1+s2] =	stream.linear.scatter [tilespmem:s10], [sflag:$0x8], $0x4000, $0x38;
	[tilespmem:$0x11000] =	vst v63  }
0xc3: {  	_ =	swait.ge [sflag:s13], $0x4000  }
0xc4: {  	[sflag:s13] =	ssyncset.done $0x0  }
0xc5: {  	[sflag:s13] =	ssyncadd.s32 $0xFFFFC000  }
0xc6: {  	[tilespmem:s10], [sflag:$0x4] =	stream.indirect.gather [hbm4b:s3+s11], $0x80, s24, s11, $0xb8;
	[tilespmem:$0x11000] =	vst v63  }
0xc7: {  	_ =	swait.ge [sflag:s9], $0x4000  }
0xc8: {  	[sflag:s9] =	ssyncset.done $0x0  }
0xc9: {  	s1 =	rddreg [dreg:$0x14];
	[sflag:s9] =	ssyncadd.s32 $0xFFFFC000  }
0xca: {  	[hbm4b:s1+s2] =	stream.linear.scatter [tilespmem:s5], [sflag:$0x5], $0x4000, $0x38;
	[tilespmem:$0x11000] =	vst v63  }
0xcb: {  	_ =	swait.ge [sflag:s8], $0x4000  }
0xcc: {  	[sflag:s8] =	ssyncset.done $0x0  }
0xcd: {  	[sflag:s8] =	ssyncadd.s32 $0xFFFFC000  }
0xce: {  	[tilespmem:s5], [sflag:$0x1] =	stream.indirect.gather [hbm4b:s3+s11], $0x80, s23, s11, $0xb8;
	[tilespmem:$0x11000] =	vst v63  }
0xcf: {  	_ =	swait.ge [sflag:s7], $0x4000  }
0xd0: {  	[sflag:s7] =	ssyncset.done $0x0  }
0xd1: {  	s1 =	rddreg [dreg:$0x15];
	[sflag:s7] =	ssyncadd.s32 $0xFFFFC000  }
0xd2: {  	[hbm4b:s1+s2] =	stream.linear.scatter [tilespmem:s4], [sflag:$0x6], $0x4000, $0x38;
	[tilespmem:$0x11000] =	vst v63  }
0xd3: {  	_ =	swait.ge [sflag:s6], $0x4000  }
0xd4: {  	[sflag:s6] =	ssyncset.done $0x0  }
0xd5: {  	[sflag:s6] =	ssyncadd.s32 $0xFFFFC000  }
0xd6: {  	[tilespmem:s4], [sflag:$0x2] =	stream.indirect.gather [hbm4b:s3+s11], $0x80, s22, s11, $0xb8;
	[tilespmem:$0x11000] =	vst v63  }
0xd7: {  	_ =	swait.ge [sflag:s16], $0x4000  }
0xd8: {  	[sflag:s16] =	ssyncset.done $0x0  }
0xd9: {  	s1 =	rddreg [dreg:$0x16];
	[sflag:s16] =	ssyncadd.s32 $0xFFFFC000  }
0xda: {  	[hbm4b:s1+s2] =	stream.linear.scatter [tilespmem:s12], [sflag:$0x7], $0x4000, $0x38;
	[tilespmem:$0x11000] =	vst v63  }
0xdb: {  	_ =	swait.ge [sflag:s15], $0x4000  }
0xdc: {  	[sflag:s15] =	ssyncset.done $0x0  }
0xdd: {  	[sflag:s15] =	ssyncadd.s32 $0xFFFFC000  }
0xde: {  	[tilespmem:s12], [sflag:$0x3] =	stream.indirect.gather [hbm4b:s3+s11], $0x80, s21, s11, $0xb8;
	[tilespmem:$0x11000] =	vst v63  }
0xdf: {  	_ =	swait.ge [sflag:s14], $0x4000  }
0xe0: {  	[sflag:s14] =	ssyncset.done $0x0  }
0xe1: {  	s1 =	rddreg [dreg:$0x17];
	[sflag:s14] =	ssyncadd.s32 $0xFFFFC000  }
0xe2: {  	[hbm4b:s1+s2] =	stream.linear.scatter [tilespmem:s10], [sflag:$0x8], $0x4000, $0x38;
	[tilespmem:$0x11000] =	vst v63  }
0xe3: {  	_ =	swait.ge [sflag:s13], $0x4000  }
0xe4: {  	[sflag:s13] =	ssyncset.done $0x0  }
0xe5: {  	[sflag:s13] =	ssyncadd.s32 $0xFFFFC000  }
0xe6: {  	[tilespmem:s10], [sflag:$0x4] =	stream.indirect.gather [hbm4b:s3+s11], $0x80, s20, s11, $0xb8;
	[tilespmem:$0x11000] =	vst v63  }
0xe7: {  	_ =	swait.ge [sflag:s9], $0x4000  }
0xe8: {  	[sflag:s9] =	ssyncset.done $0x0  }
0xe9: {  	s1 =	rddreg [dreg:$0x18];
	[sflag:s9] =	ssyncadd.s32 $0xFFFFC000  }
0xea: {  	[hbm4b:s1+s2] =	stream.linear.scatter [tilespmem:s5], [sflag:$0x5], $0x4000, $0x38;
	[tilespmem:$0x11000] =	vst v63  }
0xeb: {  	_ =	swait.ge [sflag:s8], $0x4000  }
0xec: {  	[sflag:s8] =	ssyncset.done $0x0  }
0xed: {  	[sflag:s8] =	ssyncadd.s32 $0xFFFFC000  }
0xee: {  	[tilespmem:s5], [sflag:$0x1] =	stream.indirect.gather [hbm4b:s3+s11], $0x80, s19, s11, $0xb8;
	[tilespmem:$0x11000] =	vst v63  }
0xef: {  	_ =	swait.ge [sflag:s7], $0x4000  }
0xf0: {  	[sflag:s7] =	ssyncset.done $0x0  }
0xf1: {  	s1 =	rddreg [dreg:$0x19];
	[sflag:s7] =	ssyncadd.s32 $0xFFFFC000  }
0xf2: {  	[hbm4b:s1+s2] =	stream.linear.scatter [tilespmem:s4], [sflag:$0x6], $0x4000, $0x38;
	[tilespmem:$0x11000] =	vst v63  }
0xf3: {  	_ =	swait.ge [sflag:s6], $0x4000  }
0xf4: {  	[sflag:s6] =	ssyncset.done $0x0  }
0xf5: {  	[sflag:s6] =	ssyncadd.s32 $0xFFFFC000  }
0xf6: {  	[tilespmem:s4], [sflag:$0x2] =	stream.indirect.gather [hbm4b:s3+s11], $0x80, s18, s11, $0xb8;
	[tilespmem:$0x11000] =	vst v63  }
0xf7: {  	_ =	swait.ge [sflag:s16], $0x4000  }
0xf8: {  	[sflag:s16] =	ssyncset.done $0x0  }
0xf9: {  	s1 =	rddreg [dreg:$0x1a];
	[sflag:s16] =	ssyncadd.s32 $0xFFFFC000  }
0xfa: {  	[hbm4b:s1+s2] =	stream.linear.scatter [tilespmem:s12], [sflag:$0x7], $0x4000, $0x38;
	[tilespmem:$0x11000] =	vst v63  }
0xfb: {  	_ =	swait.ge [sflag:s15], $0x4000  }
0xfc: {  	[sflag:s15] =	ssyncset.done $0x0  }
0xfd: {  	[sflag:s15] =	ssyncadd.s32 $0xFFFFC000  }
0xfe: {  	_ =	swait.ge [sflag:s14], $0x4000  }
0xff: {  	[sflag:s14] =	ssyncset.done $0x0  }
0x100: {  	s1 =	rddreg [dreg:$0x1b];
	[sflag:s14] =	ssyncadd.s32 $0xFFFFC000  }
0x101: {  	[hbm4b:s1+s2] =	stream.linear.scatter [tilespmem:s10], [sflag:$0x8], $0x4000, $0x38;
	[tilespmem:$0x11000] =	vst v63  }
0x102: {  	_ =	swait.ge [sflag:s13], $0x4000  }
0x103: {  	[sflag:s13] =	ssyncset.done $0x0  }
0x104: {  	[sflag:s13] =	ssyncadd.s32 $0xFFFFC000  }
0x105: {  	_ =	swait.ge [sflag:s9], $0x4000  }
0x106: {  	[sflag:s9] =	ssyncset.done $0x0  }
0x107: {  	s1 =	rddreg [dreg:$0x1c];
	[sflag:s9] =	ssyncadd.s32 $0xFFFFC000  }
0x108: {  	[hbm4b:s1+s2] =	stream.linear.scatter [tilespmem:s5], [sflag:$0x5], $0x4000, $0x38;
	[tilespmem:$0x11000] =	vst v63  }
0x109: {  	_ =	swait.ge [sflag:s8], $0x4000  }
0x10a: {  	[sflag:s8] =	ssyncset.done $0x0  }
0x10b: {  	[sflag:s8] =	ssyncadd.s32 $0xFFFFC000  }
0x10c: {  	p1 =	sne.s32 s17, $0x1;
	_ =	swait.ge [sflag:s7], $0x4000  }
.Ltmp1:
0x10d: {  	[sflag:s7] =	ssyncset.done $0x0;
	(pc) =	sbr.rel @!p1 .LBB2_3-.Ltmp1, $4  }
0x10e: {  	s1 =	rddreg [dreg:$0x1d];
	[sflag:s7] =	ssyncadd.s32 $0xFFFFC000  }
0x10f: {  	[hbm4b:s1+s2] =	stream.linear.scatter [tilespmem:s4], [sflag:$0x6], $0x4000, $0x38;
	[tilespmem:$0x11000] =	vst v63  }
0x110: {  	p0 =	por $0x1, $0x1;
	_ =	swait.ge [sflag:s6], $0x4000  }
0x111: {  	s1 =	sadd.s32 $0xFFFFFFFF, s17;
	s0 =	rddreg [dreg:$0x4];
	[sflag:s6] =	ssyncset.done $0x0  }
.LBB2_4:
0x112: {  	[sflag:s6] =	ssyncadd.s32 $0xFFFFC000  }
0x113: {  	[tilespmem:s2], [sflag:$0x9] =	stream.linear.gather [hbm4b:s0+s2], $0xD00, $0x38;
	[tilespmem:$0x11000] =	vst v63  }
0x114: {  	_ =	swait.ge [sflag:s31], $0xD00  }
0x115: {  	[sflag:s31] =	ssyncset.done $0x0  }
0x116: {  	[sflag:s31] =	ssyncadd.s32 $0xFFFFF300  }
0x117: {  	[tilespmem:s5], [sflag:$0x1] =	stream.indirect.gather [hbm4b:s3+s11], $0x80, s2, s11, $0xb8;
	[tilespmem:$0x11000] =	vst v63  }
0x118: {  	_ = 	snop  }
0x119: {  	[tilespmem:s4], [sflag:$0x2] =	stream.indirect.gather [hbm4b:s3+s11], $0x80, s11, s11, $0xb8;
	[tilespmem:$0x11000] =	vst v63  }
0x11a: {  	s0 =	rddreg [dreg:$0x1e]  }
0x11b: {  	[tilespmem:s12], [sflag:$0x3] =	stream.indirect.gather [hbm4b:s3+s11], $0x80, s0, s11, $0xb8;
	[tilespmem:$0x11000] =	vst v63  }
0x11c: {  	s17 =	rddreg [dreg:$0x1f]  }
0x11d: {  	[tilespmem:s10], [sflag:$0x4] =	stream.indirect.gather [hbm4b:s3+s11], $0x80, s17, s11, $0xb8;
	[tilespmem:$0x11000] =	vst v63  }
0x11e: {  	_ =	swait.ge [sflag:s9], $0x4000  }
0x11f: {  	[sflag:s9] =	ssyncset.done $0x0  }
0x120: {  	[sflag:s9] =	ssyncadd.s32 $0xFFFFC000  }
0x121: {  	[hbm4b:s30+s2] =	stream.linear.scatter [tilespmem:s5], [sflag:$0x5], $0x4000, $0x38;
	[tilespmem:$0x11000] =	vst v63  }
0x122: {  	_ =	swait.ge [sflag:s8], $0x4000  }
0x123: {  	s17 =	sld [smem:$0x7F4]  }
0x124: {  	[sflag:s8] =	ssyncset.done $0x0  }
0x125: {  	[sflag:s8] =	ssyncadd.s32 $0xFFFFC000  }
0x126: {  	[tilespmem:s5], [sflag:$0x1] =	stream.indirect.gather [hbm4b:s3+s11], $0x80, s17, s11, $0xb8;
	[tilespmem:$0x11000] =	vst v63  }
0x127: {  	_ =	swait.ge [sflag:s7], $0x4000  }
0x128: {  	[sflag:s7] =	ssyncset.done $0x0  }
0x129: {  	s17 =	rddreg [dreg:$0x5];
	[sflag:s7] =	ssyncadd.s32 $0xFFFFC000  }
0x12a: {  	[hbm4b:s17+s2] =	stream.linear.scatter [tilespmem:s4], [sflag:$0x6], $0x4000, $0x38;
	[tilespmem:$0x11000] =	vst v63  }
0x12b: {  	_ =	swait.ge [sflag:s6], $0x4000  }
0x12c: {  	s17 =	sld [smem:$0x7F5]  }
0x12d: {  	[sflag:s6] =	ssyncset.done $0x0  }
0x12e: {  	[sflag:s6] =	ssyncadd.s32 $0xFFFFC000  }
0x12f: {  	[tilespmem:s4], [sflag:$0x2] =	stream.indirect.gather [hbm4b:s3+s11], $0x80, s17, s11, $0xb8;
	[tilespmem:$0x11000] =	vst v63  }
0x130: {  	_ =	swait.ge [sflag:s16], $0x4000  }
0x131: {  	[sflag:s16] =	ssyncset.done $0x0  }
0x132: {  	s17 =	rddreg [dreg:$0x6];
	[sflag:s16] =	ssyncadd.s32 $0xFFFFC000  }
0x133: {  	[hbm4b:s17+s2] =	stream.linear.scatter [tilespmem:s12], [sflag:$0x7], $0x4000, $0x38;
	[tilespmem:$0x11000] =	vst v63  }
0x134: {  	_ =	swait.ge [sflag:s15], $0x4000  }
0x135: {  	s17 =	sld [smem:$0x7F6]  }
0x136: {  	[sflag:s15] =	ssyncset.done $0x0  }
0x137: {  	[sflag:s15] =	ssyncadd.s32 $0xFFFFC000  }
0x138: {  	[tilespmem:s12], [sflag:$0x3] =	stream.indirect.gather [hbm4b:s3+s11], $0x80, s17, s11, $0xb8;
	[tilespmem:$0x11000] =	vst v63  }
0x139: {  	_ =	swait.ge [sflag:s14], $0x4000  }
0x13a: {  	[sflag:s14] =	ssyncset.done $0x0  }
0x13b: {  	s17 =	rddreg [dreg:$0x7];
	[sflag:s14] =	ssyncadd.s32 $0xFFFFC000  }
0x13c: {  	[hbm4b:s17+s2] =	stream.linear.scatter [tilespmem:s10], [sflag:$0x8], $0x4000, $0x38;
	[tilespmem:$0x11000] =	vst v63  }
0x13d: {  	_ =	swait.ge [sflag:s13], $0x4000  }
0x13e: {  	s17 =	sld [smem:$0x7F7]  }
0x13f: {  	[sflag:s13] =	ssyncset.done $0x0  }
0x140: {  	[sflag:s13] =	ssyncadd.s32 $0xFFFFC000  }
0x141: {  	[tilespmem:s10], [sflag:$0x4] =	stream.indirect.gather [hbm4b:s3+s11], $0x80, s17, s11, $0xb8;
	[tilespmem:$0x11000] =	vst v63  }
0x142: {  	_ =	swait.ge [sflag:s9], $0x4000  }
0x143: {  	[sflag:s9] =	ssyncset.done $0x0  }
0x144: {  	s17 =	rddreg [dreg:$0x8];
	[sflag:s9] =	ssyncadd.s32 $0xFFFFC000  }
0x145: {  	[hbm4b:s17+s2] =	stream.linear.scatter [tilespmem:s5], [sflag:$0x5], $0x4000, $0x38;
	[tilespmem:$0x11000] =	vst v63  }
0x146: {  	_ =	swait.ge [sflag:s8], $0x4000  }
0x147: {  	s17 =	sld [smem:$0x7F8]  }
0x148: {  	[sflag:s8] =	ssyncset.done $0x0  }
0x149: {  	[sflag:s8] =	ssyncadd.s32 $0xFFFFC000  }
0x14a: {  	[tilespmem:s5], [sflag:$0x1] =	stream.indirect.gather [hbm4b:s3+s11], $0x80, s17, s11, $0xb8;
	[tilespmem:$0x11000] =	vst v63  }
0x14b: {  	_ =	swait.ge [sflag:s7], $0x4000  }
0x14c: {  	[sflag:s7] =	ssyncset.done $0x0  }
0x14d: {  	s17 =	rddreg [dreg:$0x9];
	[sflag:s7] =	ssyncadd.s32 $0xFFFFC000  }
0x14e: {  	[hbm4b:s17+s2] =	stream.linear.scatter [tilespmem:s4], [sflag:$0x6], $0x4000, $0x38;
	[tilespmem:$0x11000] =	vst v63  }
0x14f: {  	_ =	swait.ge [sflag:s6], $0x4000  }
0x150: {  	s17 =	sld [smem:$0x7F9]  }
0x151: {  	[sflag:s6] =	ssyncset.done $0x0  }
0x152: {  	[sflag:s6] =	ssyncadd.s32 $0xFFFFC000  }
0x153: {  	[tilespmem:s4], [sflag:$0x2] =	stream.indirect.gather [hbm4b:s3+s11], $0x80, s17, s11, $0xb8;
	[tilespmem:$0x11000] =	vst v63  }
0x154: {  	_ =	swait.ge [sflag:s16], $0x4000  }
0x155: {  	[sflag:s16] =	ssyncset.done $0x0  }
0x156: {  	s17 =	rddreg [dreg:$0xa];
	[sflag:s16] =	ssyncadd.s32 $0xFFFFC000  }
0x157: {  	[hbm4b:s17+s2] =	stream.linear.scatter [tilespmem:s12], [sflag:$0x7], $0x4000, $0x38;
	[tilespmem:$0x11000] =	vst v63  }
0x158: {  	_ =	swait.ge [sflag:s15], $0x4000  }
0x159: {  	s17 =	sld [smem:$0x7FA]  }
0x15a: {  	[sflag:s15] =	ssyncset.done $0x0  }
0x15b: {  	[sflag:s15] =	ssyncadd.s32 $0xFFFFC000  }
0x15c: {  	[tilespmem:s12], [sflag:$0x3] =	stream.indirect.gather [hbm4b:s3+s11], $0x80, s17, s11, $0xb8;
	[tilespmem:$0x11000] =	vst v63  }
0x15d: {  	_ =	swait.ge [sflag:s14], $0x4000  }
0x15e: {  	[sflag:s14] =	ssyncset.done $0x0  }
0x15f: {  	s17 =	rddreg [dreg:$0xb];
	[sflag:s14] =	ssyncadd.s32 $0xFFFFC000  }
0x160: {  	[hbm4b:s17+s2] =	stream.linear.scatter [tilespmem:s10], [sflag:$0x8], $0x4000, $0x38;
	[tilespmem:$0x11000] =	vst v63  }
0x161: {  	_ =	swait.ge [sflag:s13], $0x4000  }
0x162: {  	s17 =	sld [smem:$0x7FB]  }
0x163: {  	[sflag:s13] =	ssyncset.done $0x0  }
0x164: {  	[sflag:s13] =	ssyncadd.s32 $0xFFFFC000  }
0x165: {  	[tilespmem:s10], [sflag:$0x4] =	stream.indirect.gather [hbm4b:s3+s11], $0x80, s17, s11, $0xb8;
	[tilespmem:$0x11000] =	vst v63  }
0x166: {  	_ =	swait.ge [sflag:s9], $0x4000  }
0x167: {  	[sflag:s9] =	ssyncset.done $0x0  }
0x168: {  	s17 =	rddreg [dreg:$0xc];
	[sflag:s9] =	ssyncadd.s32 $0xFFFFC000  }
0x169: {  	[hbm4b:s17+s2] =	stream.linear.scatter [tilespmem:s5], [sflag:$0x5], $0x4000, $0x38;
	[tilespmem:$0x11000] =	vst v63  }
0x16a: {  	_ =	swait.ge [sflag:s8], $0x4000  }
0x16b: {  	s17 =	sld [smem:$0x7FC]  }
0x16c: {  	[sflag:s8] =	ssyncset.done $0x0  }
0x16d: {  	[sflag:s8] =	ssyncadd.s32 $0xFFFFC000  }
0x16e: {  	[tilespmem:s5], [sflag:$0x1] =	stream.indirect.gather [hbm4b:s3+s11], $0x80, s17, s11, $0xb8;
	[tilespmem:$0x11000] =	vst v63  }
0x16f: {  	_ =	swait.ge [sflag:s7], $0x4000  }
0x170: {  	[sflag:s7] =	ssyncset.done $0x0  }
0x171: {  	s17 =	rddreg [dreg:$0xd];
	[sflag:s7] =	ssyncadd.s32 $0xFFFFC000  }
0x172: {  	[hbm4b:s17+s2] =	stream.linear.scatter [tilespmem:s4], [sflag:$0x6], $0x4000, $0x38;
	[tilespmem:$0x11000] =	vst v63  }
0x173: {  	_ =	swait.ge [sflag:s6], $0x4000  }
0x174: {  	s17 =	sld [smem:$0x7FD]  }
0x175: {  	[sflag:s6] =	ssyncset.done $0x0  }
0x176: {  	[sflag:s6] =	ssyncadd.s32 $0xFFFFC000  }
0x177: {  	[tilespmem:s4], [sflag:$0x2] =	stream.indirect.gather [hbm4b:s3+s11], $0x80, s17, s11, $0xb8;
	[tilespmem:$0x11000] =	vst v63  }
0x178: {  	_ =	swait.ge [sflag:s16], $0x4000  }
0x179: {  	[sflag:s16] =	ssyncset.done $0x0  }
0x17a: {  	s17 =	rddreg [dreg:$0xe];
	[sflag:s16] =	ssyncadd.s32 $0xFFFFC000  }
0x17b: {  	[hbm4b:s17+s2] =	stream.linear.scatter [tilespmem:s12], [sflag:$0x7], $0x4000, $0x38;
	[tilespmem:$0x11000] =	vst v63  }
0x17c: {  	_ =	swait.ge [sflag:s15], $0x4000  }
0x17d: {  	[sflag:s15] =	ssyncset.done $0x0  }
0x17e: {  	s17 =	simm.s32 $0x700;
	[sflag:s15] =	ssyncadd.s32 $0xFFFFC000  }
0x17f: {  	[tilespmem:s12], [sflag:$0x3] =	stream.indirect.gather [hbm4b:s3+s11], $0x80, s17, s11, $0xb8;
	[tilespmem:$0x11000] =	vst v63  }
0x180: {  	_ =	swait.ge [sflag:s14], $0x4000  }
0x181: {  	[sflag:s14] =	ssyncset.done $0x0  }
0x182: {  	s17 =	rddreg [dreg:$0xf];
	[sflag:s14] =	ssyncadd.s32 $0xFFFFC000  }
0x183: {  	[hbm4b:s17+s2] =	stream.linear.scatter [tilespmem:s10], [sflag:$0x8], $0x4000, $0x38;
	[tilespmem:$0x11000] =	vst v63  }
0x184: {  	_ =	swait.ge [sflag:s13], $0x4000  }
0x185: {  	[sflag:s13] =	ssyncset.done $0x0  }
0x186: {  	[sflag:s13] =	ssyncadd.s32 $0xFFFFC000  }
0x187: {  	[tilespmem:s10], [sflag:$0x4] =	stream.indirect.gather [hbm4b:s3+s11], $0x80, s29, s11, $0xb8;
	[tilespmem:$0x11000] =	vst v63  }
0x188: {  	_ =	swait.ge [sflag:s9], $0x4000  }
0x189: {  	[sflag:s9] =	ssyncset.done $0x0  }
0x18a: {  	s17 =	rddreg [dreg:$0x10];
	[sflag:s9] =	ssyncadd.s32 $0xFFFFC000  }
0x18b: {  	[hbm4b:s17+s2] =	stream.linear.scatter [tilespmem:s5], [sflag:$0x5], $0x4000, $0x38;
	[tilespmem:$0x11000] =	vst v63  }
0x18c: {  	_ =	swait.ge [sflag:s8], $0x4000  }
0x18d: {  	[sflag:s8] =	ssyncset.done $0x0  }
0x18e: {  	[sflag:s8] =	ssyncadd.s32 $0xFFFFC000  }
0x18f: {  	[tilespmem:s5], [sflag:$0x1] =	stream.indirect.gather [hbm4b:s3+s11], $0x80, s28, s11, $0xb8;
	[tilespmem:$0x11000] =	vst v63  }
0x190: {  	_ =	swait.ge [sflag:s7], $0x4000  }
0x191: {  	[sflag:s7] =	ssyncset.done $0x0  }
0x192: {  	s17 =	rddreg [dreg:$0x11];
	[sflag:s7] =	ssyncadd.s32 $0xFFFFC000  }
0x193: {  	[hbm4b:s17+s2] =	stream.linear.scatter [tilespmem:s4], [sflag:$0x6], $0x4000, $0x38;
	[tilespmem:$0x11000] =	vst v63  }
0x194: {  	_ =	swait.ge [sflag:s6], $0x4000  }
0x195: {  	[sflag:s6] =	ssyncset.done $0x0  }
0x196: {  	[sflag:s6] =	ssyncadd.s32 $0xFFFFC000  }
0x197: {  	[tilespmem:s4], [sflag:$0x2] =	stream.indirect.gather [hbm4b:s3+s11], $0x80, s26, s11, $0xb8;
	[tilespmem:$0x11000] =	vst v63  }
0x198: {  	_ =	swait.ge [sflag:s16], $0x4000  }
0x199: {  	[sflag:s16] =	ssyncset.done $0x0  }
0x19a: {  	s17 =	rddreg [dreg:$0x12];
	[sflag:s16] =	ssyncadd.s32 $0xFFFFC000  }
0x19b: {  	[hbm4b:s17+s2] =	stream.linear.scatter [tilespmem:s12], [sflag:$0x7], $0x4000, $0x38;
	[tilespmem:$0x11000] =	vst v63  }
0x19c: {  	_ =	swait.ge [sflag:s15], $0x4000  }
0x19d: {  	[sflag:s15] =	ssyncset.done $0x0  }
0x19e: {  	[sflag:s15] =	ssyncadd.s32 $0xFFFFC000  }
0x19f: {  	[tilespmem:s12], [sflag:$0x3] =	stream.indirect.gather [hbm4b:s3+s11], $0x80, s25, s11, $0xb8;
	[tilespmem:$0x11000] =	vst v63  }
0x1a0: {  	_ =	swait.ge [sflag:s14], $0x4000  }
0x1a1: {  	[sflag:s14] =	ssyncset.done $0x0  }
0x1a2: {  	s17 =	rddreg [dreg:$0x13];
	[sflag:s14] =	ssyncadd.s32 $0xFFFFC000  }
0x1a3: {  	[hbm4b:s17+s2] =	stream.linear.scatter [tilespmem:s10], [sflag:$0x8], $0x4000, $0x38;
	[tilespmem:$0x11000] =	vst v63  }
0x1a4: {  	_ =	swait.ge [sflag:s13], $0x4000  }
0x1a5: {  	[sflag:s13] =	ssyncset.done $0x0  }
0x1a6: {  	[sflag:s13] =	ssyncadd.s32 $0xFFFFC000  }
0x1a7: {  	[tilespmem:s10], [sflag:$0x4] =	stream.indirect.gather [hbm4b:s3+s11], $0x80, s24, s11, $0xb8;
	[tilespmem:$0x11000] =	vst v63  }
0x1a8: {  	_ =	swait.ge [sflag:s9], $0x4000  }
0x1a9: {  	[sflag:s9] =	ssyncset.done $0x0  }
0x1aa: {  	s17 =	rddreg [dreg:$0x14];
	[sflag:s9] =	ssyncadd.s32 $0xFFFFC000  }
0x1ab: {  	[hbm4b:s17+s2] =	stream.linear.scatter [tilespmem:s5], [sflag:$0x5], $0x4000, $0x38;
	[tilespmem:$0x11000] =	vst v63  }
0x1ac: {  	_ =	swait.ge [sflag:s8], $0x4000  }
0x1ad: {  	[sflag:s8] =	ssyncset.done $0x0  }
0x1ae: {  	[sflag:s8] =	ssyncadd.s32 $0xFFFFC000  }
0x1af: {  	[tilespmem:s5], [sflag:$0x1] =	stream.indirect.gather [hbm4b:s3+s11], $0x80, s23, s11, $0xb8;
	[tilespmem:$0x11000] =	vst v63  }
0x1b0: {  	_ =	swait.ge [sflag:s7], $0x4000  }
0x1b1: {  	[sflag:s7] =	ssyncset.done $0x0  }
0x1b2: {  	s17 =	rddreg [dreg:$0x15];
	[sflag:s7] =	ssyncadd.s32 $0xFFFFC000  }
0x1b3: {  	[hbm4b:s17+s2] =	stream.linear.scatter [tilespmem:s4], [sflag:$0x6], $0x4000, $0x38;
	[tilespmem:$0x11000] =	vst v63  }
0x1b4: {  	_ =	swait.ge [sflag:s6], $0x4000  }
0x1b5: {  	[sflag:s6] =	ssyncset.done $0x0  }
0x1b6: {  	[sflag:s6] =	ssyncadd.s32 $0xFFFFC000  }
0x1b7: {  	[tilespmem:s4], [sflag:$0x2] =	stream.indirect.gather [hbm4b:s3+s11], $0x80, s22, s11, $0xb8;
	[tilespmem:$0x11000] =	vst v63  }
0x1b8: {  	_ =	swait.ge [sflag:s16], $0x4000  }
0x1b9: {  	[sflag:s16] =	ssyncset.done $0x0  }
0x1ba: {  	s17 =	rddreg [dreg:$0x16];
	[sflag:s16] =	ssyncadd.s32 $0xFFFFC000  }
0x1bb: {  	[hbm4b:s17+s2] =	stream.linear.scatter [tilespmem:s12], [sflag:$0x7], $0x4000, $0x38;
	[tilespmem:$0x11000] =	vst v63  }
0x1bc: {  	_ =	swait.ge [sflag:s15], $0x4000  }
0x1bd: {  	[sflag:s15] =	ssyncset.done $0x0  }
0x1be: {  	[sflag:s15] =	ssyncadd.s32 $0xFFFFC000  }
0x1bf: {  	[tilespmem:s12], [sflag:$0x3] =	stream.indirect.gather [hbm4b:s3+s11], $0x80, s21, s11, $0xb8;
	[tilespmem:$0x11000] =	vst v63  }
0x1c0: {  	_ =	swait.ge [sflag:s14], $0x4000  }
0x1c1: {  	[sflag:s14] =	ssyncset.done $0x0  }
0x1c2: {  	s17 =	rddreg [dreg:$0x17];
	[sflag:s14] =	ssyncadd.s32 $0xFFFFC000  }
0x1c3: {  	[hbm4b:s17+s2] =	stream.linear.scatter [tilespmem:s10], [sflag:$0x8], $0x4000, $0x38;
	[tilespmem:$0x11000] =	vst v63  }
0x1c4: {  	_ =	swait.ge [sflag:s13], $0x4000  }
0x1c5: {  	[sflag:s13] =	ssyncset.done $0x0  }
0x1c6: {  	[sflag:s13] =	ssyncadd.s32 $0xFFFFC000  }
0x1c7: {  	[tilespmem:s10], [sflag:$0x4] =	stream.indirect.gather [hbm4b:s3+s11], $0x80, s20, s11, $0xb8;
	[tilespmem:$0x11000] =	vst v63  }
0x1c8: {  	_ =	swait.ge [sflag:s9], $0x4000  }
0x1c9: {  	[sflag:s9] =	ssyncset.done $0x0  }
0x1ca: {  	s17 =	rddreg [dreg:$0x18];
	[sflag:s9] =	ssyncadd.s32 $0xFFFFC000  }
0x1cb: {  	[hbm4b:s17+s2] =	stream.linear.scatter [tilespmem:s5], [sflag:$0x5], $0x4000, $0x38;
	[tilespmem:$0x11000] =	vst v63  }
0x1cc: {  	_ =	swait.ge [sflag:s8], $0x4000  }
0x1cd: {  	[sflag:s8] =	ssyncset.done $0x0  }
0x1ce: {  	[sflag:s8] =	ssyncadd.s32 $0xFFFFC000  }
0x1cf: {  	[tilespmem:s5], [sflag:$0x1] =	stream.indirect.gather [hbm4b:s3+s11], $0x80, s19, s11, $0xb8;
	[tilespmem:$0x11000] =	vst v63  }
0x1d0: {  	_ =	swait.ge [sflag:s7], $0x4000  }
0x1d1: {  	[sflag:s7] =	ssyncset.done $0x0  }
0x1d2: {  	s17 =	rddreg [dreg:$0x19];
	[sflag:s7] =	ssyncadd.s32 $0xFFFFC000  }
0x1d3: {  	[hbm4b:s17+s2] =	stream.linear.scatter [tilespmem:s4], [sflag:$0x6], $0x4000, $0x38;
	[tilespmem:$0x11000] =	vst v63  }
0x1d4: {  	_ =	swait.ge [sflag:s6], $0x4000  }
0x1d5: {  	[sflag:s6] =	ssyncset.done $0x0  }
0x1d6: {  	[sflag:s6] =	ssyncadd.s32 $0xFFFFC000  }
0x1d7: {  	[tilespmem:s4], [sflag:$0x2] =	stream.indirect.gather [hbm4b:s3+s11], $0x80, s18, s11, $0xb8;
	[tilespmem:$0x11000] =	vst v63  }
0x1d8: {  	_ =	swait.ge [sflag:s16], $0x4000  }
0x1d9: {  	[sflag:s16] =	ssyncset.done $0x0  }
0x1da: {  	s17 =	rddreg [dreg:$0x1a];
	[sflag:s16] =	ssyncadd.s32 $0xFFFFC000  }
0x1db: {  	[hbm4b:s17+s2] =	stream.linear.scatter [tilespmem:s12], [sflag:$0x7], $0x4000, $0x38;
	[tilespmem:$0x11000] =	vst v63  }
0x1dc: {  	_ =	swait.ge [sflag:s15], $0x4000  }
0x1dd: {  	[sflag:s15] =	ssyncset.done $0x0  }
0x1de: {  	[sflag:s15] =	ssyncadd.s32 $0xFFFFC000  }
0x1df: {  	_ =	swait.ge [sflag:s14], $0x4000  }
0x1e0: {  	[sflag:s14] =	ssyncset.done $0x0  }
0x1e1: {  	s17 =	rddreg [dreg:$0x1b];
	[sflag:s14] =	ssyncadd.s32 $0xFFFFC000  }
0x1e2: {  	[hbm4b:s17+s2] =	stream.linear.scatter [tilespmem:s10], [sflag:$0x8], $0x4000, $0x38;
	[tilespmem:$0x11000] =	vst v63  }
0x1e3: {  	_ =	swait.ge [sflag:s13], $0x4000  }
0x1e4: {  	[sflag:s13] =	ssyncset.done $0x0  }
0x1e5: {  	[sflag:s13] =	ssyncadd.s32 $0xFFFFC000  }
0x1e6: {  	_ =	swait.ge [sflag:s9], $0x4000  }
0x1e7: {  	[sflag:s9] =	ssyncset.done $0x0  }
0x1e8: {  	s17 =	rddreg [dreg:$0x1c];
	[sflag:s9] =	ssyncadd.s32 $0xFFFFC000  }
0x1e9: {  	[hbm4b:s17+s2] =	stream.linear.scatter [tilespmem:s5], [sflag:$0x5], $0x4000, $0x38;
	[tilespmem:$0x11000] =	vst v63  }
0x1ea: {  	_ =	swait.ge [sflag:s8], $0x4000  }
0x1eb: {  	[sflag:s8] =	ssyncset.done $0x0  }
0x1ec: {  	[sflag:s8] =	ssyncadd.s32 $0xFFFFC000  }
0x1ed: {  	p1 =	sne.s32 s1, $0x1;
	_ =	swait.ge [sflag:s7], $0x4000  }
.Ltmp2:
0x1ee: {  	[sflag:s7] =	ssyncset.done $0x0;
	(pc) =	sbr.rel @p1 .LBB2_4-.Ltmp2, $4  }
0x1ef: {  	s17 =	rddreg [dreg:$0x1d];
	[sflag:s7] =	ssyncadd.s32 $0xFFFFC000  }
0x1f0: {  	[hbm4b:s17+s2] =	stream.linear.scatter [tilespmem:s4], [sflag:$0x6], $0x4000, $0x38;
	[tilespmem:$0x11000] =	vst v63  }
0x1f1: {  	_ =	swait.ge [sflag:s6], $0x4000  }
0x1f2: {  	s1 =	sadd.s32 $0xFFFFFFFF, s1;
	s0 =	rddreg [dreg:$0x4];
	[sflag:s6] =	ssyncset.done $0x0  }
0x1f3: {  	s18 =	simm.s32 $0x700;
	s29 =	simm.s32 $0x780;
	s28 =	simm.s32 $0x800  }
0x1f4: {  	s26 =	simm.s32 $0x880;
	s25 =	simm.s32 $0x900;
	s24 =	simm.s32 $0x980  }
0x1f5: {  	s23 =	simm.s32 $0xA00;
	s22 =	simm.s32 $0xA80;
	s21 =	simm.s32 $0xB00  }
0x1f6: {  	s20 =	simm.s32 $0xB80;
	s19 =	simm.s32 $0xC00;
	s17 =	stileid.u32  }
.LBB2_6:
0x1f7: {  	[sflag:s6] =	ssyncadd.s32 @p0 $0xFFFFC000  }
0x1f8: {  	[tilespmem:s2], [sflag:$0x9] =	stream.linear.gather [hbm4b:s0+s2], $0xD00, $0x38;
	[tilespmem:$0x11000] =	vst v63  }
0x1f9: {  	_ =	swait.ge [sflag:s31], $0xD00  }
0x1fa: {  	[sflag:s31] =	ssyncset.done $0x0  }
0x1fb: {  	[sflag:s31] =	ssyncadd.s32 $0xFFFFF300  }
0x1fc: {  	[tilespmem:s5], [sflag:$0x1] =	stream.indirect.gather [hbm4b:s3+s11], $0x80, s2, s11, $0xb8;
	[tilespmem:$0x11000] =	vst v63  }
0x1fd: {  	_ = 	snop  }
0x1fe: {  	[tilespmem:s4], [sflag:$0x2] =	stream.indirect.gather [hbm4b:s3+s11], $0x80, s11, s11, $0xb8;
	[tilespmem:$0x11000] =	vst v63  }
0x1ff: {  	s31 =	rddreg [dreg:$0x1e]  }
0x200: {  	[tilespmem:s12], [sflag:$0x3] =	stream.indirect.gather [hbm4b:s3+s11], $0x80, s31, s11, $0xb8;
	[tilespmem:$0x11000] =	vst v63  }
0x201: {  	s1 =	rddreg [dreg:$0x1f]  }
0x202: {  	[tilespmem:s10], [sflag:$0x4] =	stream.indirect.gather [hbm4b:s3+s11], $0x80, s1, s11, $0xb8;
	[tilespmem:$0x11000] =	vst v63  }
0x203: {  	_ =	swait.ge [sflag:s9], $0x4000  }
0x204: {  	[sflag:s9] =	ssyncset.done $0x0  }
0x205: {  	[sflag:s9] =	ssyncadd.s32 $0xFFFFC000  }
0x206: {  	[hbm4b:s30+s2] =	stream.linear.scatter [tilespmem:s5], [sflag:$0x5], $0x4000, $0x38;
	[tilespmem:$0x11000] =	vst v63  }
0x207: {  	_ =	swait.ge [sflag:s8], $0x4000  }
0x208: {  	s30 =	sld [smem:$0x7F4]  }
0x209: {  	[sflag:s8] =	ssyncset.done $0x0  }
0x20a: {  	[sflag:s8] =	ssyncadd.s32 $0xFFFFC000  }
0x20b: {  	[tilespmem:s5], [sflag:$0x1] =	stream.indirect.gather [hbm4b:s3+s11], $0x80, s30, s11, $0xb8;
	[tilespmem:$0x11000] =	vst v63  }
0x20c: {  	_ =	swait.ge [sflag:s7], $0x4000  }
0x20d: {  	[sflag:s7] =	ssyncset.done $0x0  }
0x20e: {  	s31 =	rddreg [dreg:$0x5];
	[sflag:s7] =	ssyncadd.s32 $0xFFFFC000  }
0x20f: {  	[hbm4b:s31+s2] =	stream.linear.scatter [tilespmem:s4], [sflag:$0x6], $0x4000, $0x38;
	[tilespmem:$0x11000] =	vst v63  }
0x210: {  	_ =	swait.ge [sflag:s6], $0x4000  }
0x211: {  	s1 =	sld [smem:$0x7F5]  }
0x212: {  	[sflag:s6] =	ssyncset.done $0x0  }
0x213: {  	[sflag:s6] =	ssyncadd.s32 $0xFFFFC000  }
0x214: {  	[tilespmem:s4], [sflag:$0x2] =	stream.indirect.gather [hbm4b:s3+s11], $0x80, s1, s11, $0xb8;
	[tilespmem:$0x11000] =	vst v63  }
0x215: {  	_ =	swait.ge [sflag:s16], $0x4000  }
0x216: {  	[sflag:s16] =	ssyncset.done $0x0  }
0x217: {  	s30 =	rddreg [dreg:$0x6];
	[sflag:s16] =	ssyncadd.s32 $0xFFFFC000  }
0x218: {  	[hbm4b:s30+s2] =	stream.linear.scatter [tilespmem:s12], [sflag:$0x7], $0x4000, $0x38;
	[tilespmem:$0x11000] =	vst v63  }
0x219: {  	_ =	swait.ge [sflag:s15], $0x4000  }
0x21a: {  	s31 =	sld [smem:$0x7F6]  }
0x21b: {  	[sflag:s15] =	ssyncset.done $0x0  }
0x21c: {  	[sflag:s15] =	ssyncadd.s32 $0xFFFFC000  }
0x21d: {  	[tilespmem:s12], [sflag:$0x3] =	stream.indirect.gather [hbm4b:s3+s11], $0x80, s31, s11, $0xb8;
	[tilespmem:$0x11000] =	vst v63  }
0x21e: {  	_ =	swait.ge [sflag:s14], $0x4000  }
0x21f: {  	[sflag:s14] =	ssyncset.done $0x0  }
0x220: {  	s1 =	rddreg [dreg:$0x7];
	[sflag:s14] =	ssyncadd.s32 $0xFFFFC000  }
0x221: {  	[hbm4b:s1+s2] =	stream.linear.scatter [tilespmem:s10], [sflag:$0x8], $0x4000, $0x38;
	[tilespmem:$0x11000] =	vst v63  }
0x222: {  	_ =	swait.ge [sflag:s13], $0x4000  }
0x223: {  	s30 =	sld [smem:$0x7F7]  }
0x224: {  	[sflag:s13] =	ssyncset.done $0x0  }
0x225: {  	[sflag:s13] =	ssyncadd.s32 $0xFFFFC000  }
0x226: {  	[tilespmem:s10], [sflag:$0x4] =	stream.indirect.gather [hbm4b:s3+s11], $0x80, s30, s11, $0xb8;
	[tilespmem:$0x11000] =	vst v63  }
0x227: {  	_ =	swait.ge [sflag:s9], $0x4000  }
0x228: {  	[sflag:s9] =	ssyncset.done $0x0  }
0x229: {  	s31 =	rddreg [dreg:$0x8];
	[sflag:s9] =	ssyncadd.s32 $0xFFFFC000  }
0x22a: {  	[hbm4b:s31+s2] =	stream.linear.scatter [tilespmem:s5], [sflag:$0x5], $0x4000, $0x38;
	[tilespmem:$0x11000] =	vst v63  }
0x22b: {  	_ =	swait.ge [sflag:s8], $0x4000  }
0x22c: {  	s1 =	sld [smem:$0x7F8]  }
0x22d: {  	[sflag:s8] =	ssyncset.done $0x0  }
0x22e: {  	[sflag:s8] =	ssyncadd.s32 $0xFFFFC000  }
0x22f: {  	[tilespmem:s5], [sflag:$0x1] =	stream.indirect.gather [hbm4b:s3+s11], $0x80, s1, s11, $0xb8;
	[tilespmem:$0x11000] =	vst v63  }
0x230: {  	_ =	swait.ge [sflag:s7], $0x4000  }
0x231: {  	[sflag:s7] =	ssyncset.done $0x0  }
0x232: {  	s30 =	rddreg [dreg:$0x9];
	[sflag:s7] =	ssyncadd.s32 $0xFFFFC000  }
0x233: {  	[hbm4b:s30+s2] =	stream.linear.scatter [tilespmem:s4], [sflag:$0x6], $0x4000, $0x38;
	[tilespmem:$0x11000] =	vst v63  }
0x234: {  	_ =	swait.ge [sflag:s6], $0x4000  }
0x235: {  	s31 =	sld [smem:$0x7F9]  }
0x236: {  	[sflag:s6] =	ssyncset.done $0x0  }
0x237: {  	[sflag:s6] =	ssyncadd.s32 $0xFFFFC000  }
0x238: {  	[tilespmem:s4], [sflag:$0x2] =	stream.indirect.gather [hbm4b:s3+s11], $0x80, s31, s11, $0xb8;
	[tilespmem:$0x11000] =	vst v63  }
0x239: {  	_ =	swait.ge [sflag:s16], $0x4000  }
0x23a: {  	[sflag:s16] =	ssyncset.done $0x0  }
0x23b: {  	s1 =	rddreg [dreg:$0xa];
	[sflag:s16] =	ssyncadd.s32 $0xFFFFC000  }
0x23c: {  	[hbm4b:s1+s2] =	stream.linear.scatter [tilespmem:s12], [sflag:$0x7], $0x4000, $0x38;
	[tilespmem:$0x11000] =	vst v63  }
0x23d: {  	_ =	swait.ge [sflag:s15], $0x4000  }
0x23e: {  	s30 =	sld [smem:$0x7FA]  }
0x23f: {  	[sflag:s15] =	ssyncset.done $0x0  }
0x240: {  	[sflag:s15] =	ssyncadd.s32 $0xFFFFC000  }
0x241: {  	[tilespmem:s12], [sflag:$0x3] =	stream.indirect.gather [hbm4b:s3+s11], $0x80, s30, s11, $0xb8;
	[tilespmem:$0x11000] =	vst v63  }
0x242: {  	_ =	swait.ge [sflag:s14], $0x4000  }
0x243: {  	[sflag:s14] =	ssyncset.done $0x0  }
0x244: {  	s31 =	rddreg [dreg:$0xb];
	[sflag:s14] =	ssyncadd.s32 $0xFFFFC000  }
0x245: {  	[hbm4b:s31+s2] =	stream.linear.scatter [tilespmem:s10], [sflag:$0x8], $0x4000, $0x38;
	[tilespmem:$0x11000] =	vst v63  }
0x246: {  	_ =	swait.ge [sflag:s13], $0x4000  }
0x247: {  	s1 =	sld [smem:$0x7FB]  }
0x248: {  	[sflag:s13] =	ssyncset.done $0x0  }
0x249: {  	[sflag:s13] =	ssyncadd.s32 $0xFFFFC000  }
0x24a: {  	[tilespmem:s10], [sflag:$0x4] =	stream.indirect.gather [hbm4b:s3+s11], $0x80, s1, s11, $0xb8;
	[tilespmem:$0x11000] =	vst v63  }
0x24b: {  	_ =	swait.ge [sflag:s9], $0x4000  }
0x24c: {  	[sflag:s9] =	ssyncset.done $0x0  }
0x24d: {  	s30 =	rddreg [dreg:$0xc];
	[sflag:s9] =	ssyncadd.s32 $0xFFFFC000  }
0x24e: {  	[hbm4b:s30+s2] =	stream.linear.scatter [tilespmem:s5], [sflag:$0x5], $0x4000, $0x38;
	[tilespmem:$0x11000] =	vst v63  }
0x24f: {  	_ =	swait.ge [sflag:s8], $0x4000  }
0x250: {  	s31 =	sld [smem:$0x7FC]  }
0x251: {  	[sflag:s8] =	ssyncset.done $0x0  }
0x252: {  	[sflag:s8] =	ssyncadd.s32 $0xFFFFC000  }
0x253: {  	[tilespmem:s5], [sflag:$0x1] =	stream.indirect.gather [hbm4b:s3+s11], $0x80, s31, s11, $0xb8;
	[tilespmem:$0x11000] =	vst v63  }
0x254: {  	_ =	swait.ge [sflag:s7], $0x4000  }
0x255: {  	[sflag:s7] =	ssyncset.done $0x0  }
0x256: {  	s1 =	rddreg [dreg:$0xd];
	[sflag:s7] =	ssyncadd.s32 $0xFFFFC000  }
0x257: {  	[hbm4b:s1+s2] =	stream.linear.scatter [tilespmem:s4], [sflag:$0x6], $0x4000, $0x38;
	[tilespmem:$0x11000] =	vst v63  }
0x258: {  	_ =	swait.ge [sflag:s6], $0x4000  }
0x259: {  	s30 =	sld [smem:$0x7FD]  }
0x25a: {  	[sflag:s6] =	ssyncset.done $0x0  }
0x25b: {  	[sflag:s6] =	ssyncadd.s32 $0xFFFFC000  }
0x25c: {  	[tilespmem:s4], [sflag:$0x2] =	stream.indirect.gather [hbm4b:s3+s11], $0x80, s30, s11, $0xb8;
	[tilespmem:$0x11000] =	vst v63  }
0x25d: {  	_ =	swait.ge [sflag:s16], $0x4000  }
0x25e: {  	[sflag:s16] =	ssyncset.done $0x0  }
0x25f: {  	s31 =	rddreg [dreg:$0xe];
	[sflag:s16] =	ssyncadd.s32 $0xFFFFC000  }
0x260: {  	[hbm4b:s31+s2] =	stream.linear.scatter [tilespmem:s12], [sflag:$0x7], $0x4000, $0x38;
	[tilespmem:$0x11000] =	vst v63  }
0x261: {  	_ =	swait.ge [sflag:s15], $0x4000  }
0x262: {  	[sflag:s15] =	ssyncset.done $0x0  }
0x263: {  	[sflag:s15] =	ssyncadd.s32 $0xFFFFC000  }
0x264: {  	[tilespmem:s12], [sflag:$0x3] =	stream.indirect.gather [hbm4b:s3+s11], $0x80, s18, s11, $0xb8;
	[tilespmem:$0x11000] =	vst v63  }
0x265: {  	_ =	swait.ge [sflag:s14], $0x4000  }
0x266: {  	[sflag:s14] =	ssyncset.done $0x0  }
0x267: {  	s1 =	rddreg [dreg:$0xf];
	[sflag:s14] =	ssyncadd.s32 $0xFFFFC000  }
0x268: {  	[hbm4b:s1+s2] =	stream.linear.scatter [tilespmem:s10], [sflag:$0x8], $0x4000, $0x38;
	[tilespmem:$0x11000] =	vst v63  }
0x269: {  	_ =	swait.ge [sflag:s13], $0x4000  }
0x26a: {  	[sflag:s13] =	ssyncset.done $0x0  }
0x26b: {  	[sflag:s13] =	ssyncadd.s32 $0xFFFFC000  }
0x26c: {  	[tilespmem:s10], [sflag:$0x4] =	stream.indirect.gather [hbm4b:s3+s11], $0x80, s29, s11, $0xb8;
	[tilespmem:$0x11000] =	vst v63  }
0x26d: {  	_ =	swait.ge [sflag:s9], $0x4000  }
0x26e: {  	[sflag:s9] =	ssyncset.done $0x0  }
0x26f: {  	s18 =	rddreg [dreg:$0x10];
	[sflag:s9] =	ssyncadd.s32 $0xFFFFC000  }
0x270: {  	[hbm4b:s18+s2] =	stream.linear.scatter [tilespmem:s5], [sflag:$0x5], $0x4000, $0x38;
	[tilespmem:$0x11000] =	vst v63  }
0x271: {  	_ =	swait.ge [sflag:s8], $0x4000  }
0x272: {  	[sflag:s8] =	ssyncset.done $0x0  }
0x273: {  	[sflag:s8] =	ssyncadd.s32 $0xFFFFC000  }
0x274: {  	[tilespmem:s5], [sflag:$0x1] =	stream.indirect.gather [hbm4b:s3+s11], $0x80, s28, s11, $0xb8;
	[tilespmem:$0x11000] =	vst v63  }
0x275: {  	_ =	swait.ge [sflag:s7], $0x4000  }
0x276: {  	[sflag:s7] =	ssyncset.done $0x0  }
0x277: {  	s29 =	rddreg [dreg:$0x11];
	[sflag:s7] =	ssyncadd.s32 $0xFFFFC000  }
0x278: {  	[hbm4b:s29+s2] =	stream.linear.scatter [tilespmem:s4], [sflag:$0x6], $0x4000, $0x38;
	[tilespmem:$0x11000] =	vst v63  }
0x279: {  	_ =	swait.ge [sflag:s6], $0x4000  }
0x27a: {  	[sflag:s6] =	ssyncset.done $0x0  }
0x27b: {  	[sflag:s6] =	ssyncadd.s32 $0xFFFFC000  }
0x27c: {  	[tilespmem:s4], [sflag:$0x2] =	stream.indirect.gather [hbm4b:s3+s11], $0x80, s26, s11, $0xb8;
	[tilespmem:$0x11000] =	vst v63  }
0x27d: {  	_ =	swait.ge [sflag:s16], $0x4000  }
0x27e: {  	[sflag:s16] =	ssyncset.done $0x0  }
0x27f: {  	s30 =	rddreg [dreg:$0x12];
	[sflag:s16] =	ssyncadd.s32 $0xFFFFC000  }
0x280: {  	[hbm4b:s30+s2] =	stream.linear.scatter [tilespmem:s12], [sflag:$0x7], $0x4000, $0x38;
	[tilespmem:$0x11000] =	vst v63  }
0x281: {  	_ =	swait.ge [sflag:s15], $0x4000  }
0x282: {  	[sflag:s15] =	ssyncset.done $0x0  }
0x283: {  	[sflag:s15] =	ssyncadd.s32 $0xFFFFC000  }
0x284: {  	[tilespmem:s12], [sflag:$0x3] =	stream.indirect.gather [hbm4b:s3+s11], $0x80, s25, s11, $0xb8;
	[tilespmem:$0x11000] =	vst v63  }
0x285: {  	_ =	swait.ge [sflag:s14], $0x4000  }
0x286: {  	[sflag:s14] =	ssyncset.done $0x0  }
0x287: {  	s31 =	rddreg [dreg:$0x13];
	[sflag:s14] =	ssyncadd.s32 $0xFFFFC000  }
0x288: {  	[hbm4b:s31+s2] =	stream.linear.scatter [tilespmem:s10], [sflag:$0x8], $0x4000, $0x38;
	[tilespmem:$0x11000] =	vst v63  }
0x289: {  	_ =	swait.ge [sflag:s13], $0x4000  }
0x28a: {  	[sflag:s13] =	ssyncset.done $0x0  }
0x28b: {  	[sflag:s13] =	ssyncadd.s32 $0xFFFFC000  }
0x28c: {  	[tilespmem:s10], [sflag:$0x4] =	stream.indirect.gather [hbm4b:s3+s11], $0x80, s24, s11, $0xb8;
	[tilespmem:$0x11000] =	vst v63  }
0x28d: {  	_ =	swait.ge [sflag:s9], $0x4000  }
0x28e: {  	[sflag:s9] =	ssyncset.done $0x0  }
0x28f: {  	s1 =	rddreg [dreg:$0x14];
	[sflag:s9] =	ssyncadd.s32 $0xFFFFC000  }
0x290: {  	[hbm4b:s1+s2] =	stream.linear.scatter [tilespmem:s5], [sflag:$0x5], $0x4000, $0x38;
	[tilespmem:$0x11000] =	vst v63  }
0x291: {  	_ =	swait.ge [sflag:s8], $0x4000  }
0x292: {  	[sflag:s8] =	ssyncset.done $0x0  }
0x293: {  	[sflag:s8] =	ssyncadd.s32 $0xFFFFC000  }
0x294: {  	[tilespmem:s5], [sflag:$0x1] =	stream.indirect.gather [hbm4b:s3+s11], $0x80, s23, s11, $0xb8;
	[tilespmem:$0x11000] =	vst v63  }
0x295: {  	_ =	swait.ge [sflag:s7], $0x4000  }
0x296: {  	[sflag:s7] =	ssyncset.done $0x0  }
0x297: {  	s18 =	rddreg [dreg:$0x15];
	[sflag:s7] =	ssyncadd.s32 $0xFFFFC000  }
0x298: {  	[hbm4b:s18+s2] =	stream.linear.scatter [tilespmem:s4], [sflag:$0x6], $0x4000, $0x38;
	[tilespmem:$0x11000] =	vst v63  }
0x299: {  	_ =	swait.ge [sflag:s6], $0x4000  }
0x29a: {  	[sflag:s6] =	ssyncset.done $0x0  }
0x29b: {  	[sflag:s6] =	ssyncadd.s32 $0xFFFFC000  }
0x29c: {  	[tilespmem:s4], [sflag:$0x2] =	stream.indirect.gather [hbm4b:s3+s11], $0x80, s22, s11, $0xb8;
	[tilespmem:$0x11000] =	vst v63  }
0x29d: {  	_ =	swait.ge [sflag:s16], $0x4000  }
0x29e: {  	[sflag:s16] =	ssyncset.done $0x0  }
0x29f: {  	s22 =	rddreg [dreg:$0x16];
	[sflag:s16] =	ssyncadd.s32 $0xFFFFC000  }
0x2a0: {  	[hbm4b:s22+s2] =	stream.linear.scatter [tilespmem:s12], [sflag:$0x7], $0x4000, $0x38;
	[tilespmem:$0x11000] =	vst v63  }
0x2a1: {  	_ =	swait.ge [sflag:s15], $0x4000  }
0x2a2: {  	[sflag:s15] =	ssyncset.done $0x0  }
0x2a3: {  	[sflag:s15] =	ssyncadd.s32 $0xFFFFC000  }
0x2a4: {  	[tilespmem:s12], [sflag:$0x3] =	stream.indirect.gather [hbm4b:s3+s11], $0x80, s21, s11, $0xb8;
	[tilespmem:$0x11000] =	vst v63  }
0x2a5: {  	_ =	swait.ge [sflag:s14], $0x4000  }
0x2a6: {  	[sflag:s14] =	ssyncset.done $0x0  }
0x2a7: {  	s23 =	rddreg [dreg:$0x17];
	[sflag:s14] =	ssyncadd.s32 $0xFFFFC000  }
0x2a8: {  	[hbm4b:s23+s2] =	stream.linear.scatter [tilespmem:s10], [sflag:$0x8], $0x4000, $0x38;
	[tilespmem:$0x11000] =	vst v63  }
0x2a9: {  	_ =	swait.ge [sflag:s13], $0x4000  }
0x2aa: {  	[sflag:s13] =	ssyncset.done $0x0  }
0x2ab: {  	[sflag:s13] =	ssyncadd.s32 $0xFFFFC000  }
0x2ac: {  	[tilespmem:s10], [sflag:$0x4] =	stream.indirect.gather [hbm4b:s3+s11], $0x80, s20, s11, $0xb8;
	[tilespmem:$0x11000] =	vst v63  }
0x2ad: {  	_ =	swait.ge [sflag:s9], $0x4000  }
0x2ae: {  	[sflag:s9] =	ssyncset.done $0x0  }
0x2af: {  	s24 =	rddreg [dreg:$0x18];
	[sflag:s9] =	ssyncadd.s32 $0xFFFFC000  }
0x2b0: {  	[hbm4b:s24+s2] =	stream.linear.scatter [tilespmem:s5], [sflag:$0x5], $0x4000, $0x38;
	[tilespmem:$0x11000] =	vst v63  }
0x2b1: {  	_ =	swait.ge [sflag:s8], $0x4000  }
0x2b2: {  	[sflag:s8] =	ssyncset.done $0x0  }
0x2b3: {  	[sflag:s8] =	ssyncadd.s32 $0xFFFFC000  }
0x2b4: {  	[tilespmem:s5], [sflag:$0x1] =	stream.indirect.gather [hbm4b:s3+s11], $0x80, s19, s11, $0xb8;
	[tilespmem:$0x11000] =	vst v63  }
0x2b5: {  	_ =	swait.ge [sflag:s7], $0x4000  }
0x2b6: {  	[sflag:s7] =	ssyncset.done $0x0  }
0x2b7: {  	s25 =	rddreg [dreg:$0x19];
	[sflag:s7] =	ssyncadd.s32 $0xFFFFC000  }
0x2b8: {  	[hbm4b:s25+s2] =	stream.linear.scatter [tilespmem:s4], [sflag:$0x6], $0x4000, $0x38;
	[tilespmem:$0x11000] =	vst v63  }
0x2b9: {  	_ =	swait.ge [sflag:s6], $0x4000  }
0x2ba: {  	[sflag:s6] =	ssyncset.done $0x0  }
0x2bb: {  	s26 =	simm.s32 $0xC80;
	[sflag:s6] =	ssyncadd.s32 $0xFFFFC000  }
0x2bc: {  	[tilespmem:s4], [sflag:$0x2] =	stream.indirect.gather [hbm4b:s3+s11], $0x80, s26, s11, $0xb8;
	[tilespmem:$0x11000] =	vst v63  }
0x2bd: {  	_ =	swait.ge [sflag:s16], $0x4000  }
0x2be: {  	[sflag:s16] =	ssyncset.done $0x0  }
0x2bf: {  	s28 =	rddreg [dreg:$0x1a];
	[sflag:s16] =	ssyncadd.s32 $0xFFFFC000  }
0x2c0: {  	[hbm4b:s28+s2] =	stream.linear.scatter [tilespmem:s12], [sflag:$0x7], $0x4000, $0x38;
	[tilespmem:$0x11000] =	vst v63  }
0x2c1: {  	_ =	swait.ge [sflag:s15], $0x4000  }
0x2c2: {  	[sflag:s15] =	ssyncset.done $0x0  }
0x2c3: {  	[sflag:s15] =	ssyncadd.s32 $0xFFFFC000  }
0x2c4: {  	_ =	swait.ge [sflag:s14], $0x4000  }
0x2c5: {  	[sflag:s14] =	ssyncset.done $0x0  }
0x2c6: {  	s29 =	rddreg [dreg:$0x1b];
	[sflag:s14] =	ssyncadd.s32 $0xFFFFC000  }
0x2c7: {  	[hbm4b:s29+s2] =	stream.linear.scatter [tilespmem:s10], [sflag:$0x8], $0x4000, $0x38;
	[tilespmem:$0x11000] =	vst v63  }
0x2c8: {  	_ =	swait.ge [sflag:s13], $0x4000  }
0x2c9: {  	[sflag:s13] =	ssyncset.done $0x0  }
0x2ca: {  	[sflag:s13] =	ssyncadd.s32 $0xFFFFC000  }
0x2cb: {  	_ =	swait.ge [sflag:s9], $0x4000  }
0x2cc: {  	[sflag:s9] =	ssyncset.done $0x0  }
0x2cd: {  	s30 =	rddreg [dreg:$0x1c];
	[sflag:s9] =	ssyncadd.s32 $0xFFFFC000  }
0x2ce: {  	[hbm4b:s30+s2] =	stream.linear.scatter [tilespmem:s5], [sflag:$0x5], $0x4000, $0x38;
	[tilespmem:$0x11000] =	vst v63  }
0x2cf: {  	_ =	swait.ge [sflag:s8], $0x4000  }
0x2d0: {  	[sflag:s8] =	ssyncset.done $0x0  }
0x2d1: {  	[sflag:s8] =	ssyncadd.s32 $0xFFFFC000  }
0x2d2: {  	_ =	swait.ge [sflag:s7], $0x4000  }
0x2d3: {  	[sflag:s7] =	ssyncset.done $0x0  }
0x2d4: {  	s31 =	rddreg [dreg:$0x1d];
	[sflag:s7] =	ssyncadd.s32 $0xFFFFC000  }
0x2d5: {  	[hbm4b:s31+s2] =	stream.linear.scatter [tilespmem:s4], [sflag:$0x6], $0x4000, $0x38;
	[tilespmem:$0x11000] =	vst v63  }
0x2d6: {  	_ =	swait.ge [sflag:s6], $0x4000  }
0x2d7: {  	[sflag:s6] =	ssyncset.done $0x0  }
0x2d8: {  	[sflag:s6] =	ssyncadd.s32 $0xFFFFC000  }
0x2d9: {  	_ =	sfence.sel $0x180000  }
0x2da: {  	[bflag:$0x0] =	sbarrier.arrive $0xFFFF  }
0x2db: {  	_ =	strace $0x90000047  }
0x2dc: {  	[bflag:$0x2] =	sbarrier.arrive $0xFFFF  }
0x2dd: {  	p0 =	sne.s32 s17, $0x0;
	s0 =	rddreg [dreg:$0x3]  }
0x2de: {  	s0 =	sadd.s32 @!p0 $0x100000, s0  }
0x2df: {  	[sflag:s0] =	ssyncadd.tile.s32 @!p0 $0x1;
	_ =	shalt  }
.LBB2_1:
.Ltmp3:
0x2e0: {  	(pc) =	sbr.rel .LBB2_6-.Ltmp3, $4  }
0x2e1: {  	s18 =	simm.s32 $0x700;
	s29 =	simm.s32 $0x780  }
0x2e2: {  	s28 =	simm.s32 $0x800;
	s26 =	simm.s32 $0x880;
	s25 =	simm.s32 $0x900  }
0x2e3: {  	s24 =	simm.s32 $0x980;
	s23 =	simm.s32 $0xA00;
	s22 =	simm.s32 $0xA80  }
0x2e4: {  	s21 =	simm.s32 $0xB00;
	s20 =	simm.s32 $0xB80;
	s19 =	simm.s32 $0xC00  }
.LBB2_3:
.Ltmp4:
0x2e5: {  	(pc) =	sbr.rel .LBB2_6-.Ltmp4, $4  }
0x2e6: {  	s18 =	simm.s32 $0x700;
	s29 =	simm.s32 $0x780;
	s28 =	simm.s32 $0x800  }
0x2e7: {  	s26 =	simm.s32 $0x880;
	s25 =	simm.s32 $0x900;
	s24 =	simm.s32 $0x980  }
0x2e8: {  	s23 =	simm.s32 $0xA00;
	s22 =	simm.s32 $0xA80;
	s21 =	simm.s32 $0xB00  }
0x2e9: {  	s20 =	simm.s32 $0xB80;
	s19 =	simm.s32 $0xC00;
	s17 =	stileid.u32  }
.Lfunc_end2:
_tile_overlayer_lowered:
.L_overlay_start_2:
0x2ea: {  	(tag) =	ssettag $0x2  }
0x2eb: {  	s0 =	rddreg [dreg:$0x0];
	s2 =	stileid.u32  }
0x2ec: {  	s1 =	rddreg [dreg:$0x1];
	p0 =	sne.s32 s2, $0x0  }
0x2ed: {  	s3 =	rddreg [dreg:$0x2];
	[bflag:$0x3] =	sbarrier.arrive $0xFFFF;
	s2 =	simm.s32 @!p0 $0x1C09  }
0x2ee: {  	[timem:s3], [sflag:s2] =	dma.local @!p0 [hbm:s0], s1  }
0x2ef: {  	s0 =	simm.s32 @!p0 $0x9  }
0x2f0: {  	_ =	swait.ge @!p0 [sflag:s0], s1  }
0x2f1: {  	s1 =	ssub.s32 @!p0 $0x0, s1;
	[sflag:s0] =	ssyncset.done @!p0 $0x0  }
0x2f2: {  	[sflag:s0] =	ssyncadd.s32 @!p0 s1  }
0x2f3: {  	[bflag:$0x3] =	sbarrier.arrive $0xFFFF  }
0x2f4: {  	_ =	shalt  }

</sc_bundles>
